<compile_context>
chip_gen: v7x
topology: tpu7x:2x2x1
jax: 0.10.2.dev20260603
libtpu: 0.0.44.dev20260713+nightly
codegen_flags: <defaults>
</compile_context>

<pallas_src>
import functools

import jax
import jax.numpy as jnp
from jax import lax
from jax.experimental import pallas as pl
from jax.experimental.pallas import tpu as pltpu
from jax.experimental.pallas import tpu_sc as plsc

_NSC = 2
_NTILE = 16
_LANES = 16

_EPS = 1e-5




def _sc_mesh():
    return plsc.VectorSubcoreMesh(core_axis_name="c", subcore_axis_name="s",
                                  num_cores=_NSC, num_subcores=_NTILE)


def _deg_dinv(dstloc, half, rpt, ept, kw):
    npad = _NTILE * rpt
    nw = ept // kw

    def body(dst_hbm, dinv_hbm, deg_sh, onesv, idxd, degv, dinvv):
        c = lax.axis_index("c")
        s = lax.axis_index("s")
        zv = jnp.zeros((16,), jnp.float32)
        ov = jnp.ones((16,), jnp.float32)

        def z_body(i, carry):
            degv[pl.ds(i * 16, 16)] = zv
            return carry

        lax.fori_loop(0, rpt // 16, z_body, 0)

        def o_body(i, carry):
            onesv[pl.ds(i * 16, 16)] = ov
            return carry

        lax.fori_loop(0, kw // 16, o_body, 0)
        pltpu.sync_copy(degv, deg_sh.at[pl.ds(s * rpt, rpt)])
        plsc.subcore_barrier()
        ebase = c * (ept * _NTILE) + s * ept

        def w_body(w, carry):
            base = ebase + w * kw
            pltpu.sync_copy(dst_hbm.at[pl.ds(base, kw)], idxd)
            pltpu.sync_copy(onesv, deg_sh.at[idxd], add=True)
            return carry

        lax.fori_loop(0, nw, w_body, 0)
        plsc.subcore_barrier()
        pltpu.sync_copy(deg_sh.at[pl.ds(s * rpt, rpt)], degv)

        def r_body(i, carry):
            x = degv[pl.ds(i * 16, 16)] + 1.0
            xi = plsc.bitcast(x, jnp.int32)
            y = plsc.bitcast(jnp.int32(0x5F3759DF) - (xi >> 1), jnp.float32)
            y = y * (1.5 - 0.5 * x * y * y)
            y = y * (1.5 - 0.5 * x * y * y)
            y = y * (1.5 - 0.5 * x * y * y)
            dinvv[pl.ds(i * 16, 16)] = y
            return carry

        lax.fori_loop(0, rpt // 16, r_body, 0)
        pltpu.sync_copy(dinvv, dinv_hbm.at[pl.ds(c * npad + s * rpt, rpt)])

    fn = pl.kernel(
        body,
        out_type=jax.ShapeDtypeStruct((_NSC * npad,), jnp.float32),
        mesh=_sc_mesh(),
        compiler_params=pltpu.CompilerParams(needs_layout_passes=False),
        scratch_types=[
            pltpu.VMEM_SHARED((npad,), jnp.float32),
            pltpu.VMEM((kw,), jnp.float32),
            pltpu.VMEM((kw,), jnp.int32),
            pltpu.VMEM((rpt,), jnp.float32),
            pltpu.VMEM((rpt,), jnp.float32),
        ],
    )
    return fn(dstloc)


def _scatter_rows(h, src, dstloc, d, half, rpt, ept, kw):
    nw = ept // kw

    def body(h_hbm, src_hbm, dst_hbm, agg_hbm,
             agg_sh, rows0, rows1, s0, s1, d0, d1,
             sem0, sem1, sems0, sems1, semd0, semd1):
        c = lax.axis_index("c")
        s = lax.axis_index("s")
        zv = jnp.zeros((16,), jnp.float32)
        ebase = (c * _NTILE + s) * ept
        hoff = jnp.minimum(s * rpt, half - rpt)

        def iload(w, hbm, buf, sem):
            pltpu.async_copy(hbm.at[pl.ds(ebase + w * kw, kw)], buf, sem)

        def iwait(w, hbm, buf, sem):
            pltpu.make_async_copy(hbm.at[pl.ds(ebase + w * kw, kw)],
                                  buf, sem).wait()

        iload(0, src_hbm, s0, sems0)
        iload(1, src_hbm, s1, sems1)
        iload(0, dst_hbm, d0, semd0)
        iload(1, dst_hbm, d1, semd1)

        def z_body(i, carry):
            for j in range(d // 16):
                rows0[i, pl.ds(j * 16, 16)] = zv
            return carry

        lax.fori_loop(0, kw, z_body, 0)
        for i in range(-(-rpt // kw)):
            o = min(i * kw, rpt - kw)
            pltpu.sync_copy(rows0, agg_sh.at[pl.ds(hoff + o, kw)])
        plsc.subcore_barrier()

        def g(sbuf, buf, sem):
            pltpu.async_copy(h_hbm.at[sbuf], buf, sem)

        def gwait(sbuf, buf, sem):
            pltpu.make_async_copy(h_hbm.at[sbuf], buf, sem).wait()

        def sadd(dbuf, buf):
            pltpu.sync_copy(buf, agg_sh.at[dbuf], add=True)

        iwait(0, src_hbm, s0, sems0)
        g(s0, rows0, sem0)

        def pair(wp, carry):
            w = 2 * wp
            iwait(w + 1, src_hbm, s1, sems1)
            g(s1, rows1, sem1)
            gwait(s0, rows0, sem0)
            iwait(w, dst_hbm, d0, semd0)

            @pl.when(w + 2 < nw)
            def _():
                iload(w + 2, src_hbm, s0, sems0)

            sadd(d0, rows0)

            @pl.when(w + 2 < nw)
            def _():
                iload(w + 2, dst_hbm, d0, semd0)
                iwait(w + 2, src_hbm, s0, sems0)
                g(s0, rows0, sem0)

            gwait(s1, rows1, sem1)
            iwait(w + 1, dst_hbm, d1, semd1)

            @pl.when(w + 3 < nw)
            def _():
                iload(w + 3, src_hbm, s1, sems1)

            sadd(d1, rows1)

            @pl.when(w + 3 < nw)
            def _():
                iload(w + 3, dst_hbm, d1, semd1)

            return carry

        lax.fori_loop(0, nw // 2, pair, 0)
        if nw % 2 == 1:
            gwait(s0, rows0, sem0)
            iwait(nw - 1, dst_hbm, d0, semd0)
            sadd(d0, rows0)
        plsc.subcore_barrier()
        pltpu.sync_copy(agg_sh.at[pl.ds(hoff, rpt)],
                        agg_hbm.at[c, pl.ds(hoff, rpt)])

    fn = pl.kernel(
        body,
        out_type=jax.ShapeDtypeStruct((_NSC, half, d), jnp.float32),
        mesh=_sc_mesh(),
        compiler_params=pltpu.CompilerParams(needs_layout_passes=False),
        scratch_types=[
            pltpu.VMEM_SHARED((half, d), jnp.float32),
            pltpu.VMEM((kw, d), jnp.float32),
            pltpu.VMEM((kw, d), jnp.float32),
            pltpu.VMEM((kw,), jnp.int32),
            pltpu.VMEM((kw,), jnp.int32),
            pltpu.VMEM((kw,), jnp.int32),
            pltpu.VMEM((kw,), jnp.int32),
            pltpu.SemaphoreType.DMA,
            pltpu.SemaphoreType.DMA,
            pltpu.SemaphoreType.DMA,
            pltpu.SemaphoreType.DMA,
            pltpu.SemaphoreType.DMA,
            pltpu.SemaphoreType.DMA,
        ],
    )
    return fn(h, src, dstloc)




def _mm_body(x_ref, dinv_ref, w_ref, o_ref):
    o_ref[...] = jnp.dot(x_ref[...] * dinv_ref[...], w_ref[...],
                         preferred_element_type=jnp.float32)


def _mm1(x, dinv, w, blk):
    bn, d = x.shape
    grid = (bn // blk,)
    return pl.pallas_call(
        _mm_body,
        grid=grid,
        in_specs=[
            pl.BlockSpec((blk, d), lambda i: (i, 0)),
            pl.BlockSpec((blk, 1), lambda i: (i, 0)),
            pl.BlockSpec((d, d), lambda i: (0, 0)),
        ],
        out_specs=pl.BlockSpec((blk, d), lambda i: (i, 0)),
        out_shape=jax.ShapeDtypeStruct((bn, d), jnp.float32),
    )(x, dinv, w)


def _gcn_post(x, h, agg, dinv, b, g, be):
    z = dinv * (agg + h) + b
    mu = jnp.mean(z, axis=1, keepdims=True)
    var = jnp.mean((z - mu) ** 2, axis=1, keepdims=True)
    hn = (z - mu) * lax.rsqrt(var + _EPS) * g + be
    o = hn + x
    return o * jax.nn.sigmoid(o)


def _epi_body(x_ref, h_ref, agg_ref, dinv_ref, b_ref, g_ref, be_ref, w2_ref,
              x2_ref, h2_ref):
    dv = dinv_ref[...]
    y = _gcn_post(x_ref[...], h_ref[...], agg_ref[...], dv,
                  b_ref[...], g_ref[...], be_ref[...])
    x2_ref[...] = y
    h2_ref[...] = jnp.dot(y * dv, w2_ref[...],
                          preferred_element_type=jnp.float32)


def _epi_mm2(x, h, agg, dinv, b, g, be, w2, blk):
    bn, d = x.shape
    grid = (bn // blk,)
    row = lambda i: (i, 0)
    fixed = lambda i: (0, 0)
    return pl.pallas_call(
        _epi_body,
        grid=grid,
        in_specs=[
            pl.BlockSpec((blk, d), row),
            pl.BlockSpec((blk, d), row),
            pl.BlockSpec((blk, d), row),
            pl.BlockSpec((blk, 1), row),
            pl.BlockSpec((1, d), fixed),
            pl.BlockSpec((1, d), fixed),
            pl.BlockSpec((1, d), fixed),
            pl.BlockSpec((d, d), fixed),
        ],
        out_specs=[pl.BlockSpec((blk, d), row), pl.BlockSpec((blk, d), row)],
        out_shape=[jax.ShapeDtypeStruct((bn, d), jnp.float32),
                   jax.ShapeDtypeStruct((bn, d), jnp.float32)],
    )(x, h, agg, dinv, b, g, be, w2)


def _fin_body(x_ref, h_ref, agg_ref, dinv_ref, b_ref, g_ref, be_ref, o_ref):
    y = _gcn_post(x_ref[0], h_ref[0], agg_ref[0], dinv_ref[0],
                  b_ref[...], g_ref[...], be_ref[...])
    o_ref[...] = jnp.mean(y, axis=0, keepdims=True)[None]


def _epi_pool(x, h, agg, dinv, b, g, be, n_per_graph):
    bn, d = x.shape
    ng = bn // n_per_graph
    n = n_per_graph
    row = lambda i: (i, 0, 0)
    fixed = lambda i: (0, 0)
    x3 = x.reshape(ng, n, d)
    h3 = h.reshape(ng, n, d)
    agg3 = agg.reshape(ng, n, d)
    dinv3 = dinv.reshape(ng, n, 1)
    out = pl.pallas_call(
        _fin_body,
        grid=(ng,),
        in_specs=[
            pl.BlockSpec((1, n, d), row),
            pl.BlockSpec((1, n, d), row),
            pl.BlockSpec((1, n, d), row),
            pl.BlockSpec((1, n, 1), row),
            pl.BlockSpec((1, d), fixed),
            pl.BlockSpec((1, d), fixed),
            pl.BlockSpec((1, d), fixed),
        ],
        out_specs=pl.BlockSpec((1, 1, d), row),
        out_shape=jax.ShapeDtypeStruct((ng, 1, d), jnp.float32),
    )(x3, h3, agg3, dinv3, b, g, be)
    return out.reshape(ng, d)




def kernel(node_feats, edge_indices, W1, b1, g1, be1, W2, b2, g2, be2):
    B, N, d = node_feats.shape
    E = edge_indices.shape[2]
    BN = B * N
    half = BN // _NSC
    rpt = (-(-half // _NTILE) + 7) // 8 * 8
    ept = (B * E) // (_NSC * _NTILE)
    kw = 200
    assert ept % kw == 0 and half % 8 == 0

    off = (jnp.arange(B, dtype=edge_indices.dtype) * N)[:, None, None]
    ei = (edge_indices + off).transpose(1, 0, 2).reshape(2, -1)
    src = ei[0].astype(jnp.int32)
    dst = ei[1].astype(jnp.int32)
    dstloc = jnp.where(dst >= half, dst - half, dst)

    x0 = node_feats.reshape(BN, d)

    npad = _NTILE * rpt
    dinv_p = _deg_dinv(dstloc, half, rpt, ept, kw)
    dinv = dinv_p.reshape(_NSC, npad)[:, :half].reshape(BN, 1)

    blk = 1000
    b1r, g1r, be1r = b1.reshape(1, d), g1.reshape(1, d), be1.reshape(1, d)
    b2r, g2r, be2r = b2.reshape(1, d), g2.reshape(1, d), be2.reshape(1, d)

    h1 = _mm1(x0, dinv, W1, blk)
    agg1 = _scatter_rows(h1, src, dstloc, d, half, rpt, ept, kw)[:, :half].reshape(BN, d)
    x2, h2 = _epi_mm2(x0, h1, agg1, dinv, b1r, g1r, be1r, W2, blk)
    agg2 = _scatter_rows(h2, src, dstloc, d, half, rpt, ept, kw)[:, :half].reshape(BN, d)
    return _epi_pool(x2, h2, agg2, dinv, b2r, g2r, be2r, N)

# --- scband reference (transcript-rebuilt; emitter-appended) ---
"""Pipeline reference for scband-gnnencoder-88313117540961 (READ-ONLY COPY).

The authoritative reference and input builder live on the scoring server;
editing this copy changes nothing except your own understanding.
"""

import jax, jax.numpy as jnp
import numpy as np


def _gcn_conv(x, src, dst, W, b):
    BN = x.shape[0]
    loop = jnp.arange(BN, dtype=src.dtype)
    src_f = jnp.concatenate([src, loop])
    dst_f = jnp.concatenate([dst, loop])
    deg = jnp.zeros((BN,), dtype=x.dtype).at[dst_f].add(1.0)
    dinv = jnp.where(deg > 0, jax.lax.rsqrt(deg), 0.0)
    norm = dinv[src_f] * dinv[dst_f]
    h = x @ W
    msg = h[src_f] * norm[:, None]
    agg = jnp.zeros((BN, h.shape[1]), dtype=x.dtype).at[dst_f].add(msg)
    return agg + b


def _block(x, src, dst, W, b, g, be):
    h = _gcn_conv(x, src, dst, W, b)
    mu = jnp.mean(h, axis=-1, keepdims=True)
    var = jnp.var(h, axis=-1, keepdims=True)
    hn = (h - mu) / jnp.sqrt(var + 1e-5) * g + be
    out = hn + x  # residual_proj is Identity since in_channels == out_channels
    return out * jax.nn.sigmoid(out)  # SiLU


def _forward(node_feats, edge_indices, W1, b1, g1, be1, W2, b2, g2, be2):
    B, N, d = node_feats.shape
    x = node_feats.reshape(B * N, d)
    off = (jnp.arange(B, dtype=edge_indices.dtype) * N)[:, None, None]
    ei = (edge_indices + off).transpose(1, 0, 2).reshape(2, -1)
    src, dst = ei[0], ei[1]
    x = _block(x, src, dst, W1, b1, g1, be1)
    x = _block(x, src, dst, W2, b2, g2, be2)
    batch_ids = jnp.repeat(jnp.arange(B), N)
    pooled = jax.ops.segment_sum(x, batch_ids, num_segments=B) / N
    return pooled


def setup_inputs(seed: int = 0):
    key = jax.random.key(seed)
    ks = jax.random.split(key, 12)
    B, N, d, E = 4, 2500, 128, 80000
    node_feats = jax.random.normal(ks[0], (B, N, d), dtype=jnp.float32)
    edge_indices = jax.random.randint(ks[1], (B, 2, E), 0, N, dtype=jnp.int32)
    s = 1.0 / np.sqrt(d)
    W1 = jax.random.normal(ks[2], (d, d), dtype=jnp.float32) * s
    b1 = jnp.zeros((d,), dtype=jnp.float32)
    g1 = jnp.ones((d,), dtype=jnp.float32)
    be1 = jnp.zeros((d,), dtype=jnp.float32)
    W2 = jax.random.normal(ks[3], (d, d), dtype=jnp.float32) * s
    b2 = jnp.zeros((d,), dtype=jnp.float32)
    g2 = jnp.ones((d,), dtype=jnp.float32)
    be2 = jnp.zeros((d,), dtype=jnp.float32)
    return {"node_feats": node_feats, "edge_indices": edge_indices, "W1": W1, "b1": b1, "g1": g1, "be1": be1, "W2": W2, "b2": b2, "g2": g2, "be2": be2}


def reference(node_feats, edge_indices, W1, b1, g1, be1, W2, b2, g2, be2):
    return _forward(node_feats, edge_indices, W1, b1, g1, be1, W2, b2, g2, be2)

if __name__ == "__main__":
    import jax
    _d = setup_inputs()
    print(jax.jit(kernel)(*tuple(_d.values())))

</pallas_src>

<mosaic_0001>
#map = affine_map<(d0, d1) -> (0)>
module attributes {stable_mosaic.version = 14 : i64} {
  func.func @body(%arg0: i32, %arg1: i32, %arg2: memref<320000xi32, #tpu.memory_space<hbm>>, %arg3: memref<10240xf32, #tpu.memory_space<hbm>>, %arg4: memref<5120xf32, #tpu.memory_space<vmem_shared>>, %arg5: memref<200xf32, #tpu.memory_space<vmem>>, %arg6: memref<200xi32, #tpu.memory_space<vmem>>, %arg7: memref<320xf32, #tpu.memory_space<vmem>>, %arg8: memref<320xf32, #tpu.memory_space<vmem>>) attributes {dimension_semantics = [#tpu.dimension_semantics<core_parallel>, #tpu.dimension_semantics<subcore_parallel>], iteration_bounds = array<i64: 2, 16>, scalar_prefetch = 0 : i64, scratch_operands = 5 : i64, tpu.core_type = #tpu.core_type<sc_vector_subcore>, window_params = [{transform_indices = #map}, {transform_indices = #map}]} {
    %broadcast_in_dim3A = arith.constant 0.000000e+00 : f32
    %broadcast_in_dim3A_0 = vector.broadcast %broadcast_in_dim3A : f32 to vector<16xf32>
    %broadcast_in_dim3A_1 = arith.constant 1.000000e+00 : f32
    %broadcast_in_dim3A_2 = vector.broadcast %broadcast_in_dim3A_1 : f32 to vector<16xf32>
    %scan3A = arith.constant 0 : i32
    %scan3A_3 = arith.constant 0 : i32
    %scan3A_4 = arith.constant 20 : i32
    %scan3A_5 = arith.addi %scan3A_3, %scan3A_4 : i32
    %scan3A_6 = arith.constant 1 : i32
    scf.for %scan3A_39 = %scan3A_3 to %scan3A_5 step %scan3A_6  : i32 {
      %mul3A_40 = arith.constant 16 : i32
      %mul3A_41 = arith.muli %scan3A_39, %mul3A_40 : i32
      %swap3A = arith.index_cast %mul3A_41 : i32 to index
      %swap3A_42 = tpu.vector_load %arg7[%swap3A] {strides = array<i32>} : memref<320xf32, #tpu.memory_space<vmem>>, vector<16xf32>,
      tpu.vector_store %arg7[%swap3A], %broadcast_in_dim3A_0 {strides = array<i32>} : memref<320xf32, #tpu.memory_space<vmem>>, vector<16xf32>,
    }
    %scan3A_7 = arith.constant 20 : i32
    %scan3A_8 = arith.constant 0 : i32
    %scan3A_9 = arith.constant 0 : i32
    %scan3A_10 = arith.constant 12 : i32
    %scan3A_11 = arith.addi %scan3A_9, %scan3A_10 : i32
    %scan3A_12 = arith.constant 1 : i32
    scf.for %scan3A_39 = %scan3A_9 to %scan3A_11 step %scan3A_12  : i32 {
      %mul3A_40 = arith.constant 16 : i32
      %mul3A_41 = arith.muli %scan3A_39, %mul3A_40 : i32
      %swap3A = arith.index_cast %mul3A_41 : i32 to index
      %swap3A_42 = tpu.vector_load %arg5[%swap3A] {strides = array<i32>} : memref<200xf32, #tpu.memory_space<vmem>>, vector<16xf32>,
      tpu.vector_store %arg5[%swap3A], %broadcast_in_dim3A_2 {strides = array<i32>} : memref<200xf32, #tpu.memory_space<vmem>>, vector<16xf32>,
    }
    %scan3A_13 = arith.constant 12 : i32
    %mul3A = arith.constant 320 : i32
    %mul3A_14 = arith.muli %arg1, %mul3A : i32
    "tpu.region"() ({
      %run_scoped3A = tpu.sem_alloc : memref<!tpu.dma_semaphore, #tpu.memory_space<semaphore_mem>>
      %dma_start3A = tpu.memref_slice %arg4[%mul3A_14] : memref<5120xf32, #tpu.memory_space<vmem_shared>> -> memref<320xf32, #tpu.memory_space<vmem_shared>>
      %dma_start3A_39 = tpu.memref_slice %arg4[%mul3A_14] : memref<5120xf32, #tpu.memory_space<vmem_shared>> -> memref<320xf32, #tpu.memory_space<vmem_shared>>
      tpu.enqueue_dma source(%arg7 : memref<320xf32, #tpu.memory_space<vmem>>) target(%dma_start3A_39 : memref<320xf32, #tpu.memory_space<vmem_shared>>) target_semaphore(%run_scoped3A : memref<!tpu.dma_semaphore, #tpu.memory_space<semaphore_mem>>)
      %dma_wait3A = tpu.memref_slice %arg4[%mul3A_14] : memref<5120xf32, #tpu.memory_space<vmem_shared>> -> memref<320xf32, #tpu.memory_space<vmem_shared>>
      %dma_wait3A_40 = tpu.memref_slice %arg4[%mul3A_14] : memref<5120xf32, #tpu.memory_space<vmem_shared>> -> memref<320xf32, #tpu.memory_space<vmem_shared>>
      tpu.wait_dma2 semaphore(%run_scoped3A : memref<!tpu.dma_semaphore, #tpu.memory_space<semaphore_mem>>) src(%arg7 : memref<320xf32, #tpu.memory_space<vmem>>) dst(%dma_wait3A_40 : memref<320xf32, #tpu.memory_space<vmem_shared>>)
      tpu.yield
    }) : () -> ()
    %barrier3A = arith.constant 0 : index
    tpu.barrier barrier_id(%barrier3A)
    %mul3A_15 = arith.constant 160000 : i32
    %mul3A_16 = arith.muli %arg0, %mul3A_15 : i32
    %mul3A_17 = arith.constant 10000 : i32
    %mul3A_18 = arith.muli %arg1, %mul3A_17 : i32
    %add3A = arith.addi %mul3A_16, %mul3A_18 : i32
    %scan3A_19 = arith.constant 0 : i32
    %scan3A_20 = arith.constant 0 : i32
    %scan3A_21 = arith.constant 50 : i32
    %scan3A_22 = arith.addi %scan3A_20, %scan3A_21 : i32
    %scan3A_23 = arith.constant 1 : i32
    scf.for %scan3A_39 = %scan3A_20 to %scan3A_22 step %scan3A_23  : i32 {
      %mul3A_40 = arith.constant 200 : i32
      %mul3A_41 = arith.muli %scan3A_39, %mul3A_40 : i32
      %add3A_42 = arith.addi %add3A, %mul3A_41 : i32
      "tpu.region"() ({
        %run_scoped3A = tpu.sem_alloc : memref<!tpu.dma_semaphore, #tpu.memory_space<semaphore_mem>>
        %dma_start3A = tpu.memref_slice %arg2[%add3A_42] : memref<320000xi32, #tpu.memory_space<hbm>> -> memref<200xi32, #tpu.memory_space<hbm>>
        %dma_start3A_43 = tpu.memref_slice %arg2[%add3A_42] : memref<320000xi32, #tpu.memory_space<hbm>> -> memref<200xi32, #tpu.memory_space<hbm>>
        tpu.enqueue_dma source(%dma_start3A_43 : memref<200xi32, #tpu.memory_space<hbm>>) target(%arg6 : memref<200xi32, #tpu.memory_space<vmem>>) target_semaphore(%run_scoped3A : memref<!tpu.dma_semaphore, #tpu.memory_space<semaphore_mem>>)
        %dma_wait3A = tpu.memref_slice %arg2[%add3A_42] : memref<320000xi32, #tpu.memory_space<hbm>> -> memref<200xi32, #tpu.memory_space<hbm>>
        %dma_wait3A_44 = tpu.memref_slice %arg2[%add3A_42] : memref<320000xi32, #tpu.memory_space<hbm>> -> memref<200xi32, #tpu.memory_space<hbm>>
        tpu.wait_dma2 semaphore(%run_scoped3A : memref<!tpu.dma_semaphore, #tpu.memory_space<semaphore_mem>>) src(%dma_wait3A_44 : memref<200xi32, #tpu.memory_space<hbm>>) dst(%arg6 : memref<200xi32, #tpu.memory_space<vmem>>)
        tpu.yield
      }) : () -> ()
      "tpu.region"() ({
        %run_scoped3A = tpu.sem_alloc : memref<!tpu.dma_semaphore, #tpu.memory_space<semaphore_mem>>
        %dma_start3A = arith.constant 0 : i32
        %dma_start3A_43 = tpu.memref_slice %arg4[%dma_start3A] : memref<5120xf32, #tpu.memory_space<vmem_shared>> -> memref<5120xf32, #tpu.memory_space<vmem_shared>>
        tpu.enqueue_indirect_dma source(%arg5 : memref<200xf32, #tpu.memory_space<vmem>>) target(%dma_start3A_43 : memref<5120xf32, #tpu.memory_space<vmem_shared>>) offsets(%arg6 : memref<200xi32, #tpu.memory_space<vmem>>) semaphore(%run_scoped3A : memref<!tpu.dma_semaphore, #tpu.memory_space<semaphore_mem>>) {add = true}
        %dma_wait3A = arith.constant 0 : i32
        %dma_wait3A_44 = tpu.memref_slice %arg4[%dma_wait3A] : memref<5120xf32, #tpu.memory_space<vmem_shared>> -> memref<5120xf32, #tpu.memory_space<vmem_shared>>
        tpu.wait_indirect_dma semaphore(%run_scoped3A : memref<!tpu.dma_semaphore, #tpu.memory_space<semaphore_mem>>) src(%arg5 : memref<200xf32, #tpu.memory_space<vmem>>) dst(%dma_wait3A_44 : memref<5120xf32, #tpu.memory_space<vmem_shared>>)
        tpu.yield
      }) : () -> ()
    }
    %scan3A_24 = arith.constant 50 : i32
    %barrier3A_25 = arith.constant 0 : index
    tpu.barrier barrier_id(%barrier3A_25)
    %mul3A_26 = arith.constant 320 : i32
    %mul3A_27 = arith.muli %arg1, %mul3A_26 : i32
    "tpu.region"() ({
      %run_scoped3A = tpu.sem_alloc : memref<!tpu.dma_semaphore, #tpu.memory_space<semaphore_mem>>
      %dma_start3A = tpu.memref_slice %arg4[%mul3A_27] : memref<5120xf32, #tpu.memory_space<vmem_shared>> -> memref<320xf32, #tpu.memory_space<vmem_shared>>
      %dma_start3A_39 = tpu.memref_slice %arg4[%mul3A_27] : memref<5120xf32, #tpu.memory_space<vmem_shared>> -> memref<320xf32, #tpu.memory_space<vmem_shared>>
      tpu.enqueue_dma source(%dma_start3A_39 : memref<320xf32, #tpu.memory_space<vmem_shared>>) target(%arg7 : memref<320xf32, #tpu.memory_space<vmem>>) target_semaphore(%run_scoped3A : memref<!tpu.dma_semaphore, #tpu.memory_space<semaphore_mem>>)
      %dma_wait3A = tpu.memref_slice %arg4[%mul3A_27] : memref<5120xf32, #tpu.memory_space<vmem_shared>> -> memref<320xf32, #tpu.memory_space<vmem_shared>>
      %dma_wait3A_40 = tpu.memref_slice %arg4[%mul3A_27] : memref<5120xf32, #tpu.memory_space<vmem_shared>> -> memref<320xf32, #tpu.memory_space<vmem_shared>>
      tpu.wait_dma2 semaphore(%run_scoped3A : memref<!tpu.dma_semaphore, #tpu.memory_space<semaphore_mem>>) src(%dma_wait3A_40 : memref<320xf32, #tpu.memory_space<vmem_shared>>) dst(%arg7 : memref<320xf32, #tpu.memory_space<vmem>>)
      tpu.yield
    }) : () -> ()
    %scan3A_28 = arith.constant 0 : i32
    %scan3A_29 = arith.constant 0 : i32
    %scan3A_30 = arith.constant 20 : i32
    %scan3A_31 = arith.addi %scan3A_29, %scan3A_30 : i32
    %scan3A_32 = arith.constant 1 : i32
    scf.for %scan3A_39 = %scan3A_29 to %scan3A_31 step %scan3A_32  : i32 {
      %mul3A_40 = arith.constant 16 : i32
      %mul3A_41 = arith.muli %scan3A_39, %mul3A_40 : i32
      %get3A = arith.index_cast %mul3A_41 : i32 to index
      %get3A_42 = tpu.vector_load %arg7[%get3A] {strides = array<i32>} : memref<320xf32, #tpu.memory_space<vmem>>, vector<16xf32>,
      %add3A_43 = arith.constant 1.000000e+00 : f32
      %add3A_44 = vector.broadcast %add3A_43 : f32 to vector<16xf32>
      %add3A_45 = arith.addf %get3A_42, %add3A_44 : vector<16xf32>
      %bitcast3A = vector.bitcast %add3A_45 : vector<16xf32> to vector<16xi32>
      %shift_right_arithmetic3A = arith.constant 1 : i32
      %shift_right_arithmetic3A_46 = vector.broadcast %shift_right_arithmetic3A : i32 to vector<16xi32>
      %shift_right_arithmetic3A_47 = arith.shrsi %bitcast3A, %shift_right_arithmetic3A_46 : vector<16xi32>
      %sub3A = arith.constant 1597463007 : i32
      %sub3A_48 = vector.broadcast %sub3A : i32 to vector<16xi32>
      %sub3A_49 = arith.subi %sub3A_48, %shift_right_arithmetic3A_47 : vector<16xi32>
      %bitcast3A_50 = vector.bitcast %sub3A_49 : vector<16xi32> to vector<16xf32>
      %mul3A_51 = arith.constant 5.000000e-01 : f32
      %mul3A_52 = vector.broadcast %mul3A_51 : f32 to vector<16xf32>
      %mul3A_53 = arith.mulf %mul3A_52, %add3A_45 : vector<16xf32>
      %mul3A_54 = arith.mulf %mul3A_53, %bitcast3A_50 : vector<16xf32>
      %mul3A_55 = arith.mulf %mul3A_54, %bitcast3A_50 : vector<16xf32>
      %sub3A_56 = arith.constant 1.500000e+00 : f32
      %sub3A_57 = vector.broadcast %sub3A_56 : f32 to vector<16xf32>
      %sub3A_58 = arith.subf %sub3A_57, %mul3A_55 : vector<16xf32>
      %mul3A_59 = arith.mulf %bitcast3A_50, %sub3A_58 : vector<16xf32>
      %mul3A_60 = arith.constant 5.000000e-01 : f32
      %mul3A_61 = vector.broadcast %mul3A_60 : f32 to vector<16xf32>
      %mul3A_62 = arith.mulf %mul3A_61, %add3A_45 : vector<16xf32>
      %mul3A_63 = arith.mulf %mul3A_62, %mul3A_59 : vector<16xf32>
      %mul3A_64 = arith.mulf %mul3A_63, %mul3A_59 : vector<16xf32>
      %sub3A_65 = arith.constant 1.500000e+00 : f32
      %sub3A_66 = vector.broadcast %sub3A_65 : f32 to vector<16xf32>
      %sub3A_67 = arith.subf %sub3A_66, %mul3A_64 : vector<16xf32>
      %mul3A_68 = arith.mulf %mul3A_59, %sub3A_67 : vector<16xf32>
      %mul3A_69 = arith.constant 5.000000e-01 : f32
      %mul3A_70 = vector.broadcast %mul3A_69 : f32 to vector<16xf32>
      %mul3A_71 = arith.mulf %mul3A_70, %add3A_45 : vector<16xf32>
      %mul3A_72 = arith.mulf %mul3A_71, %mul3A_68 : vector<16xf32>
      %mul3A_73 = arith.mulf %mul3A_72, %mul3A_68 : vector<16xf32>
      %sub3A_74 = arith.constant 1.500000e+00 : f32
      %sub3A_75 = vector.broadcast %sub3A_74 : f32 to vector<16xf32>
      %sub3A_76 = arith.subf %sub3A_75, %mul3A_73 : vector<16xf32>
      %mul3A_77 = arith.mulf %mul3A_68, %sub3A_76 : vector<16xf32>
      %mul3A_78 = arith.constant 16 : i32
      %mul3A_79 = arith.muli %scan3A_39, %mul3A_78 : i32
      %swap3A = arith.index_cast %mul3A_79 : i32 to index
      %swap3A_80 = tpu.vector_load %arg8[%swap3A] {strides = array<i32>} : memref<320xf32, #tpu.memory_space<vmem>>, vector<16xf32>,
      tpu.vector_store %arg8[%swap3A], %mul3A_77 {strides = array<i32>} : memref<320xf32, #tpu.memory_space<vmem>>, vector<16xf32>,
    }
    %scan3A_33 = arith.constant 20 : i32
    %mul3A_34 = arith.constant 5120 : i32
    %mul3A_35 = arith.muli %arg0, %mul3A_34 : i32
    %mul3A_36 = arith.constant 320 : i32
    %mul3A_37 = arith.muli %arg1, %mul3A_36 : i32
    %add3A_38 = arith.addi %mul3A_35, %mul3A_37 : i32
    "tpu.region"() ({
      %run_scoped3A = tpu.sem_alloc : memref<!tpu.dma_semaphore, #tpu.memory_space<semaphore_mem>>
      %dma_start3A = tpu.memref_slice %arg3[%add3A_38] : memref<10240xf32, #tpu.memory_space<hbm>> -> memref<320xf32, #tpu.memory_space<hbm>>
      %dma_start3A_39 = tpu.memref_slice %arg3[%add3A_38] : memref<10240xf32, #tpu.memory_space<hbm>> -> memref<320xf32, #tpu.memory_space<hbm>>
      tpu.enqueue_dma source(%arg8 : memref<320xf32, #tpu.memory_space<vmem>>) target(%dma_start3A_39 : memref<320xf32, #tpu.memory_space<hbm>>) target_semaphore(%run_scoped3A : memref<!tpu.dma_semaphore, #tpu.memory_space<semaphore_mem>>)
      %dma_wait3A = tpu.memref_slice %arg3[%add3A_38] : memref<10240xf32, #tpu.memory_space<hbm>> -> memref<320xf32, #tpu.memory_space<hbm>>
      %dma_wait3A_40 = tpu.memref_slice %arg3[%add3A_38] : memref<10240xf32, #tpu.memory_space<hbm>> -> memref<320xf32, #tpu.memory_space<hbm>>
      tpu.wait_dma2 semaphore(%run_scoped3A : memref<!tpu.dma_semaphore, #tpu.memory_space<semaphore_mem>>) src(%arg8 : memref<320xf32, #tpu.memory_space<vmem>>) dst(%dma_wait3A_40 : memref<320xf32, #tpu.memory_space<hbm>>)
      tpu.yield
    }) : () -> ()
    return
  }
}

#map = affine_map<(d0, d1) -> (0, 0)>
#map1 = affine_map<(d0, d1) -> (0)>
#map2 = affine_map<(d0, d1) -> (0, 0, 0)>
module attributes {stable_mosaic.version = 14 : i64} {
  func.func @body(%arg0: i32, %arg1: i32, %arg2: memref<10000x128xf32, #tpu.memory_space<hbm>>, %arg3: memref<320000xi32, #tpu.memory_space<hbm>>, %arg4: memref<320000xi32, #tpu.memory_space<hbm>>, %arg5: memref<2x5000x128xf32, #tpu.memory_space<hbm>>, %arg6: memref<5000x128xf32, #tpu.memory_space<vmem_shared>>, %arg7: memref<200x128xf32, #tpu.memory_space<vmem>>, %arg8: memref<200x128xf32, #tpu.memory_space<vmem>>, %arg9: memref<200xi32, #tpu.memory_space<vmem>>, %arg10: memref<200xi32, #tpu.memory_space<vmem>>, %arg11: memref<200xi32, #tpu.memory_space<vmem>>, %arg12: memref<200xi32, #tpu.memory_space<vmem>>, %arg13: memref<!tpu.dma_semaphore, #tpu.memory_space<semaphore_mem>>, %arg14: memref<!tpu.dma_semaphore, #tpu.memory_space<semaphore_mem>>, %arg15: memref<!tpu.dma_semaphore, #tpu.memory_space<semaphore_mem>>, %arg16: memref<!tpu.dma_semaphore, #tpu.memory_space<semaphore_mem>>, %arg17: memref<!tpu.dma_semaphore, #tpu.memory_space<semaphore_mem>>, %arg18: memref<!tpu.dma_semaphore, #tpu.memory_space<semaphore_mem>>) attributes {dimension_semantics = [#tpu.dimension_semantics<core_parallel>, #tpu.dimension_semantics<subcore_parallel>], iteration_bounds = array<i64: 2, 16>, scalar_prefetch = 0 : i64, scratch_operands = 13 : i64, tpu.core_type = #tpu.core_type<sc_vector_subcore>, window_params = [{transform_indices = #map}, {transform_indices = #map1}, {transform_indices = #map1}, {transform_indices = #map2}]} {
    %broadcast_in_dim3A = arith.constant 0.000000e+00 : f32
    %broadcast_in_dim3A_0 = vector.broadcast %broadcast_in_dim3A : f32 to vector<16xf32>
    %mul3A = arith.constant 16 : i32
    %mul3A_1 = arith.muli %arg0, %mul3A : i32
    %add3A = arith.addi %mul3A_1, %arg1 : i32
    %mul3A_2 = arith.constant 10000 : i32
    %mul3A_3 = arith.muli %add3A, %mul3A_2 : i32
    %mul3A_4 = arith.constant 320 : i32
    %mul3A_5 = arith.muli %arg1, %mul3A_4 : i32
    %min3A = arith.constant 4680 : i32
    %min3A_6 = arith.minsi %mul3A_5, %min3A : i32
    %add3A_7 = arith.constant 0 : i32
    %add3A_8 = arith.addi %mul3A_3, %add3A_7 : i32
    %dma_start3A = tpu.memref_slice %arg3[%add3A_8] : memref<320000xi32, #tpu.memory_space<hbm>> -> memref<200xi32, #tpu.memory_space<hbm>>
    %dma_start3A_9 = tpu.memref_slice %arg3[%add3A_8] : memref<320000xi32, #tpu.memory_space<hbm>> -> memref<200xi32, #tpu.memory_space<hbm>>
    tpu.enqueue_dma source(%dma_start3A_9 : memref<200xi32, #tpu.memory_space<hbm>>) target(%arg9 : memref<200xi32, #tpu.memory_space<vmem>>) target_semaphore(%arg15 : memref<!tpu.dma_semaphore, #tpu.memory_space<semaphore_mem>>)
    %add3A_10 = arith.constant 200 : i32
    %add3A_11 = arith.addi %mul3A_3, %add3A_10 : i32
    %dma_start3A_12 = tpu.memref_slice %arg3[%add3A_11] : memref<320000xi32, #tpu.memory_space<hbm>> -> memref<200xi32, #tpu.memory_space<hbm>>
    %dma_start3A_13 = tpu.memref_slice %arg3[%add3A_11] : memref<320000xi32, #tpu.memory_space<hbm>> -> memref<200xi32, #tpu.memory_space<hbm>>
    tpu.enqueue_dma source(%dma_start3A_13 : memref<200xi32, #tpu.memory_space<hbm>>) target(%arg10 : memref<200xi32, #tpu.memory_space<vmem>>) target_semaphore(%arg16 : memref<!tpu.dma_semaphore, #tpu.memory_space<semaphore_mem>>)
    %add3A_14 = arith.constant 0 : i32
    %add3A_15 = arith.addi %mul3A_3, %add3A_14 : i32
    %dma_start3A_16 = tpu.memref_slice %arg4[%add3A_15] : memref<320000xi32, #tpu.memory_space<hbm>> -> memref<200xi32, #tpu.memory_space<hbm>>
    %dma_start3A_17 = tpu.memref_slice %arg4[%add3A_15] : memref<320000xi32, #tpu.memory_space<hbm>> -> memref<200xi32, #tpu.memory_space<hbm>>
    tpu.enqueue_dma source(%dma_start3A_17 : memref<200xi32, #tpu.memory_space<hbm>>) target(%arg11 : memref<200xi32, #tpu.memory_space<vmem>>) target_semaphore(%arg17 : memref<!tpu.dma_semaphore, #tpu.memory_space<semaphore_mem>>)
    %add3A_18 = arith.constant 200 : i32
    %add3A_19 = arith.addi %mul3A_3, %add3A_18 : i32
    %dma_start3A_20 = tpu.memref_slice %arg4[%add3A_19] : memref<320000xi32, #tpu.memory_space<hbm>> -> memref<200xi32, #tpu.memory_space<hbm>>
    %dma_start3A_21 = tpu.memref_slice %arg4[%add3A_19] : memref<320000xi32, #tpu.memory_space<hbm>> -> memref<200xi32, #tpu.memory_space<hbm>>
    tpu.enqueue_dma source(%dma_start3A_21 : memref<200xi32, #tpu.memory_space<hbm>>) target(%arg12 : memref<200xi32, #tpu.memory_space<vmem>>) target_semaphore(%arg18 : memref<!tpu.dma_semaphore, #tpu.memory_space<semaphore_mem>>)
    %scan3A = arith.constant 0 : i32
    %scan3A_22 = arith.constant 0 : i32
    %scan3A_23 = arith.constant 200 : i32
    %scan3A_24 = arith.addi %scan3A_22, %scan3A_23 : i32
    %scan3A_25 = arith.constant 1 : i32
    scf.for %scan3A_44 = %scan3A_22 to %scan3A_24 step %scan3A_25  : i32 {
      %swap3A = arith.index_cast %scan3A_44 : i32 to index
      %swap3A_45 = arith.constant 0 : index
      %swap3A_46 = tpu.vector_load %arg7[%swap3A, %swap3A_45] {strides = array<i32>} : memref<200x128xf32, #tpu.memory_space<vmem>>, vector<16xf32>,
      tpu.vector_store %arg7[%swap3A, %swap3A_45], %broadcast_in_dim3A_0 {strides = array<i32>} : memref<200x128xf32, #tpu.memory_space<vmem>>, vector<16xf32>,
      %swap3A_47 = arith.index_cast %scan3A_44 : i32 to index
      %swap3A_48 = arith.constant 16 : index
      %swap3A_49 = tpu.vector_load %arg7[%swap3A_47, %swap3A_48] {strides = array<i32>} : memref<200x128xf32, #tpu.memory_space<vmem>>, vector<16xf32>,
      tpu.vector_store %arg7[%swap3A_47, %swap3A_48], %broadcast_in_dim3A_0 {strides = array<i32>} : memref<200x128xf32, #tpu.memory_space<vmem>>, vector<16xf32>,
      %swap3A_50 = arith.index_cast %scan3A_44 : i32 to index
      %swap3A_51 = arith.constant 32 : index
      %swap3A_52 = tpu.vector_load %arg7[%swap3A_50, %swap3A_51] {strides = array<i32>} : memref<200x128xf32, #tpu.memory_space<vmem>>, vector<16xf32>,
      tpu.vector_store %arg7[%swap3A_50, %swap3A_51], %broadcast_in_dim3A_0 {strides = array<i32>} : memref<200x128xf32, #tpu.memory_space<vmem>>, vector<16xf32>,
      %swap3A_53 = arith.index_cast %scan3A_44 : i32 to index
      %swap3A_54 = arith.constant 48 : index
      %swap3A_55 = tpu.vector_load %arg7[%swap3A_53, %swap3A_54] {strides = array<i32>} : memref<200x128xf32, #tpu.memory_space<vmem>>, vector<16xf32>,
      tpu.vector_store %arg7[%swap3A_53, %swap3A_54], %broadcast_in_dim3A_0 {strides = array<i32>} : memref<200x128xf32, #tpu.memory_space<vmem>>, vector<16xf32>,
      %swap3A_56 = arith.index_cast %scan3A_44 : i32 to index
      %swap3A_57 = arith.constant 64 : index
      %swap3A_58 = tpu.vector_load %arg7[%swap3A_56, %swap3A_57] {strides = array<i32>} : memref<200x128xf32, #tpu.memory_space<vmem>>, vector<16xf32>,
      tpu.vector_store %arg7[%swap3A_56, %swap3A_57], %broadcast_in_dim3A_0 {strides = array<i32>} : memref<200x128xf32, #tpu.memory_space<vmem>>, vector<16xf32>,
      %swap3A_59 = arith.index_cast %scan3A_44 : i32 to index
      %swap3A_60 = arith.constant 80 : index
      %swap3A_61 = tpu.vector_load %arg7[%swap3A_59, %swap3A_60] {strides = array<i32>} : memref<200x128xf32, #tpu.memory_space<vmem>>, vector<16xf32>,
      tpu.vector_store %arg7[%swap3A_59, %swap3A_60], %broadcast_in_dim3A_0 {strides = array<i32>} : memref<200x128xf32, #tpu.memory_space<vmem>>, vector<16xf32>,
      %swap3A_62 = arith.index_cast %scan3A_44 : i32 to index
      %swap3A_63 = arith.constant 96 : index
      %swap3A_64 = tpu.vector_load %arg7[%swap3A_62, %swap3A_63] {strides = array<i32>} : memref<200x128xf32, #tpu.memory_space<vmem>>, vector<16xf32>,
      tpu.vector_store %arg7[%swap3A_62, %swap3A_63], %broadcast_in_dim3A_0 {strides = array<i32>} : memref<200x128xf32, #tpu.memory_space<vmem>>, vector<16xf32>,
      %swap3A_65 = arith.index_cast %scan3A_44 : i32 to index
      %swap3A_66 = arith.constant 112 : index
      %swap3A_67 = tpu.vector_load %arg7[%swap3A_65, %swap3A_66] {strides = array<i32>} : memref<200x128xf32, #tpu.memory_space<vmem>>, vector<16xf32>,
      tpu.vector_store %arg7[%swap3A_65, %swap3A_66], %broadcast_in_dim3A_0 {strides = array<i32>} : memref<200x128xf32, #tpu.memory_space<vmem>>, vector<16xf32>,
    }
    %scan3A_26 = arith.constant 200 : i32
    %add3A_27 = arith.constant 0 : i32
    %add3A_28 = arith.addi %min3A_6, %add3A_27 : i32
    "tpu.region"() ({
      %run_scoped3A = tpu.sem_alloc : memref<!tpu.dma_semaphore, #tpu.memory_space<semaphore_mem>>
      %dma_start3A_44 = arith.constant 0 : i32
      %dma_start3A_45 = tpu.memref_slice %arg6[%add3A_28, %dma_start3A_44] : memref<5000x128xf32, #tpu.memory_space<vmem_shared>> -> memref<200x128xf32, #tpu.memory_space<vmem_shared>>
      %dma_start3A_46 = arith.constant 0 : i32
      %dma_start3A_47 = tpu.memref_slice %arg6[%add3A_28, %dma_start3A_46] : memref<5000x128xf32, #tpu.memory_space<vmem_shared>> -> memref<200x128xf32, #tpu.memory_space<vmem_shared>>
      tpu.enqueue_dma source(%arg7 : memref<200x128xf32, #tpu.memory_space<vmem>>) target(%dma_start3A_47 : memref<200x128xf32, #tpu.memory_space<vmem_shared>>) target_semaphore(%run_scoped3A : memref<!tpu.dma_semaphore, #tpu.memory_space<semaphore_mem>>)
      %dma_wait3A_48 = arith.constant 0 : i32
      %dma_wait3A_49 = tpu.memref_slice %arg6[%add3A_28, %dma_wait3A_48] : memref<5000x128xf32, #tpu.memory_space<vmem_shared>> -> memref<200x128xf32, #tpu.memory_space<vmem_shared>>
      %dma_wait3A_50 = arith.constant 0 : i32
      %dma_wait3A_51 = tpu.memref_slice %arg6[%add3A_28, %dma_wait3A_50] : memref<5000x128xf32, #tpu.memory_space<vmem_shared>> -> memref<200x128xf32, #tpu.memory_space<vmem_shared>>
      tpu.wait_dma2 semaphore(%run_scoped3A : memref<!tpu.dma_semaphore, #tpu.memory_space<semaphore_mem>>) src(%arg7 : memref<200x128xf32, #tpu.memory_space<vmem>>) dst(%dma_wait3A_51 : memref<200x128xf32, #tpu.memory_space<vmem_shared>>)
      tpu.yield
    }) : () -> ()
    %add3A_29 = arith.constant 120 : i32
    %add3A_30 = arith.addi %min3A_6, %add3A_29 : i32
    "tpu.region"() ({
      %run_scoped3A = tpu.sem_alloc : memref<!tpu.dma_semaphore, #tpu.memory_space<semaphore_mem>>
      %dma_start3A_44 = arith.constant 0 : i32
      %dma_start3A_45 = tpu.memref_slice %arg6[%add3A_30, %dma_start3A_44] : memref<5000x128xf32, #tpu.memory_space<vmem_shared>> -> memref<200x128xf32, #tpu.memory_space<vmem_shared>>
      %dma_start3A_46 = arith.constant 0 : i32
      %dma_start3A_47 = tpu.memref_slice %arg6[%add3A_30, %dma_start3A_46] : memref<5000x128xf32, #tpu.memory_space<vmem_shared>> -> memref<200x128xf32, #tpu.memory_space<vmem_shared>>
      tpu.enqueue_dma source(%arg7 : memref<200x128xf32, #tpu.memory_space<vmem>>) target(%dma_start3A_47 : memref<200x128xf32, #tpu.memory_space<vmem_shared>>) target_semaphore(%run_scoped3A : memref<!tpu.dma_semaphore, #tpu.memory_space<semaphore_mem>>)
      %dma_wait3A_48 = arith.constant 0 : i32
      %dma_wait3A_49 = tpu.memref_slice %arg6[%add3A_30, %dma_wait3A_48] : memref<5000x128xf32, #tpu.memory_space<vmem_shared>> -> memref<200x128xf32, #tpu.memory_space<vmem_shared>>
      %dma_wait3A_50 = arith.constant 0 : i32
      %dma_wait3A_51 = tpu.memref_slice %arg6[%add3A_30, %dma_wait3A_50] : memref<5000x128xf32, #tpu.memory_space<vmem_shared>> -> memref<200x128xf32, #tpu.memory_space<vmem_shared>>
      tpu.wait_dma2 semaphore(%run_scoped3A : memref<!tpu.dma_semaphore, #tpu.memory_space<semaphore_mem>>) src(%arg7 : memref<200x128xf32, #tpu.memory_space<vmem>>) dst(%dma_wait3A_51 : memref<200x128xf32, #tpu.memory_space<vmem_shared>>)
      tpu.yield
    }) : () -> ()
    %barrier3A = arith.constant 0 : index
    tpu.barrier barrier_id(%barrier3A)
    %add3A_31 = arith.constant 0 : i32
    %add3A_32 = arith.addi %mul3A_3, %add3A_31 : i32
    %dma_wait3A = tpu.memref_slice %arg3[%add3A_32] : memref<320000xi32, #tpu.memory_space<hbm>> -> memref<200xi32, #tpu.memory_space<hbm>>
    %dma_wait3A_33 = tpu.memref_slice %arg3[%add3A_32] : memref<320000xi32, #tpu.memory_space<hbm>> -> memref<200xi32, #tpu.memory_space<hbm>>
    tpu.wait_dma2 semaphore(%arg15 : memref<!tpu.dma_semaphore, #tpu.memory_space<semaphore_mem>>) src(%dma_wait3A_33 : memref<200xi32, #tpu.memory_space<hbm>>) dst(%arg9 : memref<200xi32, #tpu.memory_space<vmem>>)
    %dma_start3A_34 = arith.constant 0 : i32
    %dma_start3A_35 = arith.constant 0 : i32
    %dma_start3A_36 = tpu.memref_slice %arg2[%dma_start3A_34, %dma_start3A_35] : memref<10000x128xf32, #tpu.memory_space<hbm>> -> memref<10000x128xf32, #tpu.memory_space<hbm>>
    tpu.enqueue_indirect_dma source(%dma_start3A_36 : memref<10000x128xf32, #tpu.memory_space<hbm>>) target(%arg7 : memref<200x128xf32, #tpu.memory_space<vmem>>) offsets(%arg9 : memref<200xi32, #tpu.memory_space<vmem>>) semaphore(%arg13 : memref<!tpu.dma_semaphore, #tpu.memory_space<semaphore_mem>>)
    %scan3A_37 = arith.constant 0 : i32
    %scan3A_38 = arith.constant 0 : i32
    %scan3A_39 = arith.constant 25 : i32
    %scan3A_40 = arith.addi %scan3A_38, %scan3A_39 : i32
    %scan3A_41 = arith.constant 1 : i32
    scf.for %scan3A_44 = %scan3A_38 to %scan3A_40 step %scan3A_41  : i32 {
      %mul3A_45 = arith.constant 2 : i32
      %mul3A_46 = arith.muli %mul3A_45, %scan3A_44 : i32
      %add3A_47 = arith.constant 1 : i32
      %add3A_48 = arith.addi %mul3A_46, %add3A_47 : i32
      %mul3A_49 = arith.constant 200 : i32
      %mul3A_50 = arith.muli %add3A_48, %mul3A_49 : i32
      %add3A_51 = arith.addi %mul3A_3, %mul3A_50 : i32
      %dma_wait3A_52 = tpu.memref_slice %arg3[%add3A_51] : memref<320000xi32, #tpu.memory_space<hbm>> -> memref<200xi32, #tpu.memory_space<hbm>>
      %dma_wait3A_53 = tpu.memref_slice %arg3[%add3A_51] : memref<320000xi32, #tpu.memory_space<hbm>> -> memref<200xi32, #tpu.memory_space<hbm>>
      tpu.wait_dma2 semaphore(%arg16 : memref<!tpu.dma_semaphore, #tpu.memory_space<semaphore_mem>>) src(%dma_wait3A_53 : memref<200xi32, #tpu.memory_space<hbm>>) dst(%arg10 : memref<200xi32, #tpu.memory_space<vmem>>)
      %dma_start3A_54 = arith.constant 0 : i32
      %dma_start3A_55 = arith.constant 0 : i32
      %dma_start3A_56 = tpu.memref_slice %arg2[%dma_start3A_54, %dma_start3A_55] : memref<10000x128xf32, #tpu.memory_space<hbm>> -> memref<10000x128xf32, #tpu.memory_space<hbm>>
      tpu.enqueue_indirect_dma source(%dma_start3A_56 : memref<10000x128xf32, #tpu.memory_space<hbm>>) target(%arg8 : memref<200x128xf32, #tpu.memory_space<vmem>>) offsets(%arg10 : memref<200xi32, #tpu.memory_space<vmem>>) semaphore(%arg14 : memref<!tpu.dma_semaphore, #tpu.memory_space<semaphore_mem>>)
      %dma_wait3A_57 = arith.constant 0 : i32
      %dma_wait3A_58 = arith.constant 0 : i32
      %dma_wait3A_59 = tpu.memref_slice %arg2[%dma_wait3A_57, %dma_wait3A_58] : memref<10000x128xf32, #tpu.memory_space<hbm>> -> memref<10000x128xf32, #tpu.memory_space<hbm>>
      tpu.wait_indirect_dma semaphore(%arg13 : memref<!tpu.dma_semaphore, #tpu.memory_space<semaphore_mem>>) src(%dma_wait3A_59 : memref<10000x128xf32, #tpu.memory_space<hbm>>) dst(%arg7 : memref<200x128xf32, #tpu.memory_space<vmem>>)
      %mul3A_60 = arith.constant 200 : i32
      %mul3A_61 = arith.muli %mul3A_46, %mul3A_60 : i32
      %add3A_62 = arith.addi %mul3A_3, %mul3A_61 : i32
      %dma_wait3A_63 = tpu.memref_slice %arg4[%add3A_62] : memref<320000xi32, #tpu.memory_space<hbm>> -> memref<200xi32, #tpu.memory_space<hbm>>
      %dma_wait3A_64 = tpu.memref_slice %arg4[%add3A_62] : memref<320000xi32, #tpu.memory_space<hbm>> -> memref<200xi32, #tpu.memory_space<hbm>>
      tpu.wait_dma2 semaphore(%arg17 : memref<!tpu.dma_semaphore, #tpu.memory_space<semaphore_mem>>) src(%dma_wait3A_64 : memref<200xi32, #tpu.memory_space<hbm>>) dst(%arg11 : memref<200xi32, #tpu.memory_space<vmem>>)
      %add3A_65 = arith.constant 2 : i32
      %add3A_66 = arith.addi %mul3A_46, %add3A_65 : i32
      %lt3A = arith.constant 50 : i32
      %lt3A_67 = arith.cmpi slt, %add3A_66, %lt3A : i32
      %convert_element_type3A = arith.extui %lt3A_67 : i1 to i32
      %cond3A = arith.constant 0 : i32
      %cond3A_68 = arith.cmpi ne, %convert_element_type3A, %cond3A : i32
      scf.if %cond3A_68 {
        %add3A_100 = arith.constant 2 : i32
        %add3A_101 = arith.addi %mul3A_46, %add3A_100 : i32
        %mul3A_102 = arith.constant 200 : i32
        %mul3A_103 = arith.muli %add3A_101, %mul3A_102 : i32
        %add3A_104 = arith.addi %mul3A_3, %mul3A_103 : i32
        %dma_start3A_105 = tpu.memref_slice %arg3[%add3A_104] : memref<320000xi32, #tpu.memory_space<hbm>> -> memref<200xi32, #tpu.memory_space<hbm>>
        %dma_start3A_106 = tpu.memref_slice %arg3[%add3A_104] : memref<320000xi32, #tpu.memory_space<hbm>> -> memref<200xi32, #tpu.memory_space<hbm>>
        tpu.enqueue_dma source(%dma_start3A_106 : memref<200xi32, #tpu.memory_space<hbm>>) target(%arg9 : memref<200xi32, #tpu.memory_space<vmem>>) target_semaphore(%arg15 : memref<!tpu.dma_semaphore, #tpu.memory_space<semaphore_mem>>)
      } else {
      }
      "tpu.region"() ({
        %run_scoped3A = tpu.sem_alloc : memref<!tpu.dma_semaphore, #tpu.memory_space<semaphore_mem>>
        %dma_start3A_100 = arith.constant 0 : i32
        %dma_start3A_101 = arith.constant 0 : i32
        %dma_start3A_102 = tpu.memref_slice %arg6[%dma_start3A_100, %dma_start3A_101] : memref<5000x128xf32, #tpu.memory_space<vmem_shared>> -> memref<5000x128xf32, #tpu.memory_space<vmem_shared>>
        tpu.enqueue_indirect_dma source(%arg7 : memref<200x128xf32, #tpu.memory_space<vmem>>) target(%dma_start3A_102 : memref<5000x128xf32, #tpu.memory_space<vmem_shared>>) offsets(%arg11 : memref<200xi32, #tpu.memory_space<vmem>>) semaphore(%run_scoped3A : memref<!tpu.dma_semaphore, #tpu.memory_space<semaphore_mem>>) {add = true}
        %dma_wait3A_103 = arith.constant 0 : i32
        %dma_wait3A_104 = arith.constant 0 : i32
        %dma_wait3A_105 = tpu.memref_slice %arg6[%dma_wait3A_103, %dma_wait3A_104] : memref<5000x128xf32, #tpu.memory_space<vmem_shared>> -> memref<5000x128xf32, #tpu.memory_space<vmem_shared>>
        tpu.wait_indirect_dma semaphore(%run_scoped3A : memref<!tpu.dma_semaphore, #tpu.memory_space<semaphore_mem>>) src(%arg7 : memref<200x128xf32, #tpu.memory_space<vmem>>) dst(%dma_wait3A_105 : memref<5000x128xf32, #tpu.memory_space<vmem_shared>>)
        tpu.yield
      }) : () -> ()
      %add3A_69 = arith.constant 2 : i32
      %add3A_70 = arith.addi %mul3A_46, %add3A_69 : i32
      %lt3A_71 = arith.constant 50 : i32
      %lt3A_72 = arith.cmpi slt, %add3A_70, %lt3A_71 : i32
      %convert_element_type3A_73 = arith.extui %lt3A_72 : i1 to i32
      %cond3A_74 = arith.constant 0 : i32
      %cond3A_75 = arith.cmpi ne, %convert_element_type3A_73, %cond3A_74 : i32
      scf.if %cond3A_75 {
        %add3A_100 = arith.constant 2 : i32
        %add3A_101 = arith.addi %mul3A_46, %add3A_100 : i32
        %mul3A_102 = arith.constant 200 : i32
        %mul3A_103 = arith.muli %add3A_101, %mul3A_102 : i32
        %add3A_104 = arith.addi %mul3A_3, %mul3A_103 : i32
        %dma_start3A_105 = tpu.memref_slice %arg4[%add3A_104] : memref<320000xi32, #tpu.memory_space<hbm>> -> memref<200xi32, #tpu.memory_space<hbm>>
        %dma_start3A_106 = tpu.memref_slice %arg4[%add3A_104] : memref<320000xi32, #tpu.memory_space<hbm>> -> memref<200xi32, #tpu.memory_space<hbm>>
        tpu.enqueue_dma source(%dma_start3A_106 : memref<200xi32, #tpu.memory_space<hbm>>) target(%arg11 : memref<200xi32, #tpu.memory_space<vmem>>) target_semaphore(%arg17 : memref<!tpu.dma_semaphore, #tpu.memory_space<semaphore_mem>>)
        %add3A_107 = arith.constant 2 : i32
        %add3A_108 = arith.addi %mul3A_46, %add3A_107 : i32
        %mul3A_109 = arith.constant 200 : i32
        %mul3A_110 = arith.muli %add3A_108, %mul3A_109 : i32
        %add3A_111 = arith.addi %mul3A_3, %mul3A_110 : i32
        %dma_wait3A_112 = tpu.memref_slice %arg3[%add3A_111] : memref<320000xi32, #tpu.memory_space<hbm>> -> memref<200xi32, #tpu.memory_space<hbm>>
        %dma_wait3A_113 = tpu.memref_slice %arg3[%add3A_111] : memref<320000xi32, #tpu.memory_space<hbm>> -> memref<200xi32, #tpu.memory_space<hbm>>
        tpu.wait_dma2 semaphore(%arg15 : memref<!tpu.dma_semaphore, #tpu.memory_space<semaphore_mem>>) src(%dma_wait3A_113 : memref<200xi32, #tpu.memory_space<hbm>>) dst(%arg9 : memref<200xi32, #tpu.memory_space<vmem>>)
        %dma_start3A_114 = arith.constant 0 : i32
        %dma_start3A_115 = arith.constant 0 : i32
        %dma_start3A_116 = tpu.memref_slice %arg2[%dma_start3A_114, %dma_start3A_115] : memref<10000x128xf32, #tpu.memory_space<hbm>> -> memref<10000x128xf32, #tpu.memory_space<hbm>>
        tpu.enqueue_indirect_dma source(%dma_start3A_116 : memref<10000x128xf32, #tpu.memory_space<hbm>>) target(%arg7 : memref<200x128xf32, #tpu.memory_space<vmem>>) offsets(%arg9 : memref<200xi32, #tpu.memory_space<vmem>>) semaphore(%arg13 : memref<!tpu.dma_semaphore, #tpu.memory_space<semaphore_mem>>)
      } else {
      }
      %dma_wait3A_76 = arith.constant 0 : i32
      %dma_wait3A_77 = arith.constant 0 : i32
      %dma_wait3A_78 = tpu.memref_slice %arg2[%dma_wait3A_76, %dma_wait3A_77] : memref<10000x128xf32, #tpu.memory_space<hbm>> -> memref<10000x128xf32, #tpu.memory_space<hbm>>
      tpu.wait_indirect_dma semaphore(%arg14 : memref<!tpu.dma_semaphore, #tpu.memory_space<semaphore_mem>>) src(%dma_wait3A_78 : memref<10000x128xf32, #tpu.memory_space<hbm>>) dst(%arg8 : memref<200x128xf32, #tpu.memory_space<vmem>>)
      %add3A_79 = arith.constant 1 : i32
      %add3A_80 = arith.addi %mul3A_46, %add3A_79 : i32
      %mul3A_81 = arith.constant 200 : i32
      %mul3A_82 = arith.muli %add3A_80, %mul3A_81 : i32
      %add3A_83 = arith.addi %mul3A_3, %mul3A_82 : i32
      %dma_wait3A_84 = tpu.memref_slice %arg4[%add3A_83] : memref<320000xi32, #tpu.memory_space<hbm>> -> memref<200xi32, #tpu.memory_space<hbm>>
      %dma_wait3A_85 = tpu.memref_slice %arg4[%add3A_83] : memref<320000xi32, #tpu.memory_space<hbm>> -> memref<200xi32, #tpu.memory_space<hbm>>
      tpu.wait_dma2 semaphore(%arg18 : memref<!tpu.dma_semaphore, #tpu.memory_space<semaphore_mem>>) src(%dma_wait3A_85 : memref<200xi32, #tpu.memory_space<hbm>>) dst(%arg12 : memref<200xi32, #tpu.memory_space<vmem>>)
      %add3A_86 = arith.constant 3 : i32
      %add3A_87 = arith.addi %mul3A_46, %add3A_86 : i32
      %lt3A_88 = arith.constant 50 : i32
      %lt3A_89 = arith.cmpi slt, %add3A_87, %lt3A_88 : i32
      %convert_element_type3A_90 = arith.extui %lt3A_89 : i1 to i32
      %cond3A_91 = arith.constant 0 : i32
      %cond3A_92 = arith.cmpi ne, %convert_element_type3A_90, %cond3A_91 : i32
      scf.if %cond3A_92 {
        %add3A_100 = arith.constant 3 : i32
        %add3A_101 = arith.addi %mul3A_46, %add3A_100 : i32
        %mul3A_102 = arith.constant 200 : i32
        %mul3A_103 = arith.muli %add3A_101, %mul3A_102 : i32
        %add3A_104 = arith.addi %mul3A_3, %mul3A_103 : i32
        %dma_start3A_105 = tpu.memref_slice %arg3[%add3A_104] : memref<320000xi32, #tpu.memory_space<hbm>> -> memref<200xi32, #tpu.memory_space<hbm>>
        %dma_start3A_106 = tpu.memref_slice %arg3[%add3A_104] : memref<320000xi32, #tpu.memory_space<hbm>> -> memref<200xi32, #tpu.memory_space<hbm>>
        tpu.enqueue_dma source(%dma_start3A_106 : memref<200xi32, #tpu.memory_space<hbm>>) target(%arg10 : memref<200xi32, #tpu.memory_space<vmem>>) target_semaphore(%arg16 : memref<!tpu.dma_semaphore, #tpu.memory_space<semaphore_mem>>)
      } else {
      }
      "tpu.region"() ({
        %run_scoped3A = tpu.sem_alloc : memref<!tpu.dma_semaphore, #tpu.memory_space<semaphore_mem>>
        %dma_start3A_100 = arith.constant 0 : i32
        %dma_start3A_101 = arith.constant 0 : i32
        %dma_start3A_102 = tpu.memref_slice %arg6[%dma_start3A_100, %dma_start3A_101] : memref<5000x128xf32, #tpu.memory_space<vmem_shared>> -> memref<5000x128xf32, #tpu.memory_space<vmem_shared>>
        tpu.enqueue_indirect_dma source(%arg8 : memref<200x128xf32, #tpu.memory_space<vmem>>) target(%dma_start3A_102 : memref<5000x128xf32, #tpu.memory_space<vmem_shared>>) offsets(%arg12 : memref<200xi32, #tpu.memory_space<vmem>>) semaphore(%run_scoped3A : memref<!tpu.dma_semaphore, #tpu.memory_space<semaphore_mem>>) {add = true}
        %dma_wait3A_103 = arith.constant 0 : i32
        %dma_wait3A_104 = arith.constant 0 : i32
        %dma_wait3A_105 = tpu.memref_slice %arg6[%dma_wait3A_103, %dma_wait3A_104] : memref<5000x128xf32, #tpu.memory_space<vmem_shared>> -> memref<5000x128xf32, #tpu.memory_space<vmem_shared>>
        tpu.wait_indirect_dma semaphore(%run_scoped3A : memref<!tpu.dma_semaphore, #tpu.memory_space<semaphore_mem>>) src(%arg8 : memref<200x128xf32, #tpu.memory_space<vmem>>) dst(%dma_wait3A_105 : memref<5000x128xf32, #tpu.memory_space<vmem_shared>>)
        tpu.yield
      }) : () -> ()
      %add3A_93 = arith.constant 3 : i32
      %add3A_94 = arith.addi %mul3A_46, %add3A_93 : i32
      %lt3A_95 = arith.constant 50 : i32
      %lt3A_96 = arith.cmpi slt, %add3A_94, %lt3A_95 : i32
      %convert_element_type3A_97 = arith.extui %lt3A_96 : i1 to i32
      %cond3A_98 = arith.constant 0 : i32
      %cond3A_99 = arith.cmpi ne, %convert_element_type3A_97, %cond3A_98 : i32
      scf.if %cond3A_99 {
        %add3A_100 = arith.constant 3 : i32
        %add3A_101 = arith.addi %mul3A_46, %add3A_100 : i32
        %mul3A_102 = arith.constant 200 : i32
        %mul3A_103 = arith.muli %add3A_101, %mul3A_102 : i32
        %add3A_104 = arith.addi %mul3A_3, %mul3A_103 : i32
        %dma_start3A_105 = tpu.memref_slice %arg4[%add3A_104] : memref<320000xi32, #tpu.memory_space<hbm>> -> memref<200xi32, #tpu.memory_space<hbm>>
        %dma_start3A_106 = tpu.memref_slice %arg4[%add3A_104] : memref<320000xi32, #tpu.memory_space<hbm>> -> memref<200xi32, #tpu.memory_space<hbm>>
        tpu.enqueue_dma source(%dma_start3A_106 : memref<200xi32, #tpu.memory_space<hbm>>) target(%arg12 : memref<200xi32, #tpu.memory_space<vmem>>) target_semaphore(%arg18 : memref<!tpu.dma_semaphore, #tpu.memory_space<semaphore_mem>>)
      } else {
      }
    }
    %scan3A_42 = arith.constant 25 : i32
    %barrier3A_43 = arith.constant 0 : index
    tpu.barrier barrier_id(%barrier3A_43)
    "tpu.region"() ({
      %run_scoped3A = tpu.sem_alloc : memref<!tpu.dma_semaphore, #tpu.memory_space<semaphore_mem>>
      %dma_start3A_44 = arith.constant 0 : i32
      %dma_start3A_45 = tpu.memref_slice %arg5[%arg0, %min3A_6, %dma_start3A_44] : memref<2x5000x128xf32, #tpu.memory_space<hbm>> -> memref<1x320x128xf32, #tpu.memory_space<hbm>>
      %dma_start3A_46 = tpu.memref_squeeze %dma_start3A_45 : memref<1x320x128xf32, #tpu.memory_space<hbm>> -> memref<320x128xf32, #tpu.memory_space<hbm>>
      %dma_start3A_47 = arith.constant 0 : i32
      %dma_start3A_48 = tpu.memref_slice %arg6[%min3A_6, %dma_start3A_47] : memref<5000x128xf32, #tpu.memory_space<vmem_shared>> -> memref<320x128xf32, #tpu.memory_space<vmem_shared>>
      tpu.enqueue_dma source(%dma_start3A_48 : memref<320x128xf32, #tpu.memory_space<vmem_shared>>) target(%dma_start3A_46 : memref<320x128xf32, #tpu.memory_space<hbm>>) target_semaphore(%run_scoped3A : memref<!tpu.dma_semaphore, #tpu.memory_space<semaphore_mem>>)
      %dma_wait3A_49 = arith.constant 0 : i32
      %dma_wait3A_50 = tpu.memref_slice %arg5[%arg0, %min3A_6, %dma_wait3A_49] : memref<2x5000x128xf32, #tpu.memory_space<hbm>> -> memref<1x320x128xf32, #tpu.memory_space<hbm>>
      %dma_wait3A_51 = tpu.memref_squeeze %dma_wait3A_50 : memref<1x320x128xf32, #tpu.memory_space<hbm>> -> memref<320x128xf32, #tpu.memory_space<hbm>>
      %dma_wait3A_52 = arith.constant 0 : i32
      %dma_wait3A_53 = tpu.memref_slice %arg6[%min3A_6, %dma_wait3A_52] : memref<5000x128xf32, #tpu.memory_space<vmem_shared>> -> memref<320x128xf32, #tpu.memory_space<vmem_shared>>
      tpu.wait_dma2 semaphore(%run_scoped3A : memref<!tpu.dma_semaphore, #tpu.memory_space<semaphore_mem>>) src(%dma_wait3A_53 : memref<320x128xf32, #tpu.memory_space<vmem_shared>>) dst(%dma_wait3A_51 : memref<320x128xf32, #tpu.memory_space<hbm>>)
      tpu.yield
    }) : () -> ()
    return
  }
}

#map = affine_map<(d0, d1) -> (0, 0)>
#map1 = affine_map<(d0, d1) -> (0)>
#map2 = affine_map<(d0, d1) -> (0, 0, 0)>
module attributes {stable_mosaic.version = 14 : i64} {
  func.func @body(%arg0: i32, %arg1: i32, %arg2: memref<10000x128xf32, #tpu.memory_space<hbm>>, %arg3: memref<320000xi32, #tpu.memory_space<hbm>>, %arg4: memref<320000xi32, #tpu.memory_space<hbm>>, %arg5: memref<2x5000x128xf32, #tpu.memory_space<hbm>>, %arg6: memref<5000x128xf32, #tpu.memory_space<vmem_shared>>, %arg7: memref<200x128xf32, #tpu.memory_space<vmem>>, %arg8: memref<200x128xf32, #tpu.memory_space<vmem>>, %arg9: memref<200xi32, #tpu.memory_space<vmem>>, %arg10: memref<200xi32, #tpu.memory_space<vmem>>, %arg11: memref<200xi32, #tpu.memory_space<vmem>>, %arg12: memref<200xi32, #tpu.memory_space<vmem>>, %arg13: memref<!tpu.dma_semaphore, #tpu.memory_space<semaphore_mem>>, %arg14: memref<!tpu.dma_semaphore, #tpu.memory_space<semaphore_mem>>, %arg15: memref<!tpu.dma_semaphore, #tpu.memory_space<semaphore_mem>>, %arg16: memref<!tpu.dma_semaphore, #tpu.memory_space<semaphore_mem>>, %arg17: memref<!tpu.dma_semaphore, #tpu.memory_space<semaphore_mem>>, %arg18: memref<!tpu.dma_semaphore, #tpu.memory_space<semaphore_mem>>) attributes {dimension_semantics = [#tpu.dimension_semantics<core_parallel>, #tpu.dimension_semantics<subcore_parallel>], iteration_bounds = array<i64: 2, 16>, scalar_prefetch = 0 : i64, scratch_operands = 13 : i64, tpu.core_type = #tpu.core_type<sc_vector_subcore>, window_params = [{transform_indices = #map}, {transform_indices = #map1}, {transform_indices = #map1}, {transform_indices = #map2}]} {
    %broadcast_in_dim3A = arith.constant 0.000000e+00 : f32
    %broadcast_in_dim3A_0 = vector.broadcast %broadcast_in_dim3A : f32 to vector<16xf32>
    %mul3A = arith.constant 16 : i32
    %mul3A_1 = arith.muli %arg0, %mul3A : i32
    %add3A = arith.addi %mul3A_1, %arg1 : i32
    %mul3A_2 = arith.constant 10000 : i32
    %mul3A_3 = arith.muli %add3A, %mul3A_2 : i32
    %mul3A_4 = arith.constant 320 : i32
    %mul3A_5 = arith.muli %arg1, %mul3A_4 : i32
    %min3A = arith.constant 4680 : i32
    %min3A_6 = arith.minsi %mul3A_5, %min3A : i32
    %add3A_7 = arith.constant 0 : i32
    %add3A_8 = arith.addi %mul3A_3, %add3A_7 : i32
    %dma_start3A = tpu.memref_slice %arg3[%add3A_8] : memref<320000xi32, #tpu.memory_space<hbm>> -> memref<200xi32, #tpu.memory_space<hbm>>
    %dma_start3A_9 = tpu.memref_slice %arg3[%add3A_8] : memref<320000xi32, #tpu.memory_space<hbm>> -> memref<200xi32, #tpu.memory_space<hbm>>
    tpu.enqueue_dma source(%dma_start3A_9 : memref<200xi32, #tpu.memory_space<hbm>>) target(%arg9 : memref<200xi32, #tpu.memory_space<vmem>>) target_semaphore(%arg15 : memref<!tpu.dma_semaphore, #tpu.memory_space<semaphore_mem>>)
    %add3A_10 = arith.constant 200 : i32
    %add3A_11 = arith.addi %mul3A_3, %add3A_10 : i32
    %dma_start3A_12 = tpu.memref_slice %arg3[%add3A_11] : memref<320000xi32, #tpu.memory_space<hbm>> -> memref<200xi32, #tpu.memory_space<hbm>>
    %dma_start3A_13 = tpu.memref_slice %arg3[%add3A_11] : memref<320000xi32, #tpu.memory_space<hbm>> -> memref<200xi32, #tpu.memory_space<hbm>>
    tpu.enqueue_dma source(%dma_start3A_13 : memref<200xi32, #tpu.memory_space<hbm>>) target(%arg10 : memref<200xi32, #tpu.memory_space<vmem>>) target_semaphore(%arg16 : memref<!tpu.dma_semaphore, #tpu.memory_space<semaphore_mem>>)
    %add3A_14 = arith.constant 0 : i32
    %add3A_15 = arith.addi %mul3A_3, %add3A_14 : i32
    %dma_start3A_16 = tpu.memref_slice %arg4[%add3A_15] : memref<320000xi32, #tpu.memory_space<hbm>> -> memref<200xi32, #tpu.memory_space<hbm>>
    %dma_start3A_17 = tpu.memref_slice %arg4[%add3A_15] : memref<320000xi32, #tpu.memory_space<hbm>> -> memref<200xi32, #tpu.memory_space<hbm>>
    tpu.enqueue_dma source(%dma_start3A_17 : memref<200xi32, #tpu.memory_space<hbm>>) target(%arg11 : memref<200xi32, #tpu.memory_space<vmem>>) target_semaphore(%arg17 : memref<!tpu.dma_semaphore, #tpu.memory_space<semaphore_mem>>)
    %add3A_18 = arith.constant 200 : i32
    %add3A_19 = arith.addi %mul3A_3, %add3A_18 : i32
    %dma_start3A_20 = tpu.memref_slice %arg4[%add3A_19] : memref<320000xi32, #tpu.memory_space<hbm>> -> memref<200xi32, #tpu.memory_space<hbm>>
    %dma_start3A_21 = tpu.memref_slice %arg4[%add3A_19] : memref<320000xi32, #tpu.memory_space<hbm>> -> memref<200xi32, #tpu.memory_space<hbm>>
    tpu.enqueue_dma source(%dma_start3A_21 : memref<200xi32, #tpu.memory_space<hbm>>) target(%arg12 : memref<200xi32, #tpu.memory_space<vmem>>) target_semaphore(%arg18 : memref<!tpu.dma_semaphore, #tpu.memory_space<semaphore_mem>>)
    %scan3A = arith.constant 0 : i32
    %scan3A_22 = arith.constant 0 : i32
    %scan3A_23 = arith.constant 200 : i32
    %scan3A_24 = arith.addi %scan3A_22, %scan3A_23 : i32
    %scan3A_25 = arith.constant 1 : i32
    scf.for %scan3A_44 = %scan3A_22 to %scan3A_24 step %scan3A_25  : i32 {
      %swap3A = arith.index_cast %scan3A_44 : i32 to index
      %swap3A_45 = arith.constant 0 : index
      %swap3A_46 = tpu.vector_load %arg7[%swap3A, %swap3A_45] {strides = array<i32>} : memref<200x128xf32, #tpu.memory_space<vmem>>, vector<16xf32>,
      tpu.vector_store %arg7[%swap3A, %swap3A_45], %broadcast_in_dim3A_0 {strides = array<i32>} : memref<200x128xf32, #tpu.memory_space<vmem>>, vector<16xf32>,
      %swap3A_47 = arith.index_cast %scan3A_44 : i32 to index
      %swap3A_48 = arith.constant 16 : index
      %swap3A_49 = tpu.vector_load %arg7[%swap3A_47, %swap3A_48] {strides = array<i32>} : memref<200x128xf32, #tpu.memory_space<vmem>>, vector<16xf32>,
      tpu.vector_store %arg7[%swap3A_47, %swap3A_48], %broadcast_in_dim3A_0 {strides = array<i32>} : memref<200x128xf32, #tpu.memory_space<vmem>>, vector<16xf32>,
      %swap3A_50 = arith.index_cast %scan3A_44 : i32 to index
      %swap3A_51 = arith.constant 32 : index
      %swap3A_52 = tpu.vector_load %arg7[%swap3A_50, %swap3A_51] {strides = array<i32>} : memref<200x128xf32, #tpu.memory_space<vmem>>, vector<16xf32>,
      tpu.vector_store %arg7[%swap3A_50, %swap3A_51], %broadcast_in_dim3A_0 {strides = array<i32>} : memref<200x128xf32, #tpu.memory_space<vmem>>, vector<16xf32>,
      %swap3A_53 = arith.index_cast %scan3A_44 : i32 to index
      %swap3A_54 = arith.constant 48 : index
      %swap3A_55 = tpu.vector_load %arg7[%swap3A_53, %swap3A_54] {strides = array<i32>} : memref<200x128xf32, #tpu.memory_space<vmem>>, vector<16xf32>,
      tpu.vector_store %arg7[%swap3A_53, %swap3A_54], %broadcast_in_dim3A_0 {strides = array<i32>} : memref<200x128xf32, #tpu.memory_space<vmem>>, vector<16xf32>,
      %swap3A_56 = arith.index_cast %scan3A_44 : i32 to index
      %swap3A_57 = arith.constant 64 : index
      %swap3A_58 = tpu.vector_load %arg7[%swap3A_56, %swap3A_57] {strides = array<i32>} : memref<200x128xf32, #tpu.memory_space<vmem>>, vector<16xf32>,
      tpu.vector_store %arg7[%swap3A_56, %swap3A_57], %broadcast_in_dim3A_0 {strides = array<i32>} : memref<200x128xf32, #tpu.memory_space<vmem>>, vector<16xf32>,
      %swap3A_59 = arith.index_cast %scan3A_44 : i32 to index
      %swap3A_60 = arith.constant 80 : index
      %swap3A_61 = tpu.vector_load %arg7[%swap3A_59, %swap3A_60] {strides = array<i32>} : memref<200x128xf32, #tpu.memory_space<vmem>>, vector<16xf32>,
      tpu.vector_store %arg7[%swap3A_59, %swap3A_60], %broadcast_in_dim3A_0 {strides = array<i32>} : memref<200x128xf32, #tpu.memory_space<vmem>>, vector<16xf32>,
      %swap3A_62 = arith.index_cast %scan3A_44 : i32 to index
      %swap3A_63 = arith.constant 96 : index
      %swap3A_64 = tpu.vector_load %arg7[%swap3A_62, %swap3A_63] {strides = array<i32>} : memref<200x128xf32, #tpu.memory_space<vmem>>, vector<16xf32>,
      tpu.vector_store %arg7[%swap3A_62, %swap3A_63], %broadcast_in_dim3A_0 {strides = array<i32>} : memref<200x128xf32, #tpu.memory_space<vmem>>, vector<16xf32>,
      %swap3A_65 = arith.index_cast %scan3A_44 : i32 to index
      %swap3A_66 = arith.constant 112 : index
      %swap3A_67 = tpu.vector_load %arg7[%swap3A_65, %swap3A_66] {strides = array<i32>} : memref<200x128xf32, #tpu.memory_space<vmem>>, vector<16xf32>,
      tpu.vector_store %arg7[%swap3A_65, %swap3A_66], %broadcast_in_dim3A_0 {strides = array<i32>} : memref<200x128xf32, #tpu.memory_space<vmem>>, vector<16xf32>,
    }
    %scan3A_26 = arith.constant 200 : i32
    %add3A_27 = arith.constant 0 : i32
    %add3A_28 = arith.addi %min3A_6, %add3A_27 : i32
    "tpu.region"() ({
      %run_scoped3A = tpu.sem_alloc : memref<!tpu.dma_semaphore, #tpu.memory_space<semaphore_mem>>
      %dma_start3A_44 = arith.constant 0 : i32
      %dma_start3A_45 = tpu.memref_slice %arg6[%add3A_28, %dma_start3A_44] : memref<5000x128xf32, #tpu.memory_space<vmem_shared>> -> memref<200x128xf32, #tpu.memory_space<vmem_shared>>
      %dma_start3A_46 = arith.constant 0 : i32
      %dma_start3A_47 = tpu.memref_slice %arg6[%add3A_28, %dma_start3A_46] : memref<5000x128xf32, #tpu.memory_space<vmem_shared>> -> memref<200x128xf32, #tpu.memory_space<vmem_shared>>
      tpu.enqueue_dma source(%arg7 : memref<200x128xf32, #tpu.memory_space<vmem>>) target(%dma_start3A_47 : memref<200x128xf32, #tpu.memory_space<vmem_shared>>) target_semaphore(%run_scoped3A : memref<!tpu.dma_semaphore, #tpu.memory_space<semaphore_mem>>)
      %dma_wait3A_48 = arith.constant 0 : i32
      %dma_wait3A_49 = tpu.memref_slice %arg6[%add3A_28, %dma_wait3A_48] : memref<5000x128xf32, #tpu.memory_space<vmem_shared>> -> memref<200x128xf32, #tpu.memory_space<vmem_shared>>
      %dma_wait3A_50 = arith.constant 0 : i32
      %dma_wait3A_51 = tpu.memref_slice %arg6[%add3A_28, %dma_wait3A_50] : memref<5000x128xf32, #tpu.memory_space<vmem_shared>> -> memref<200x128xf32, #tpu.memory_space<vmem_shared>>
      tpu.wait_dma2 semaphore(%run_scoped3A : memref<!tpu.dma_semaphore, #tpu.memory_space<semaphore_mem>>) src(%arg7 : memref<200x128xf32, #tpu.memory_space<vmem>>) dst(%dma_wait3A_51 : memref<200x128xf32, #tpu.memory_space<vmem_shared>>)
      tpu.yield
    }) : () -> ()
    %add3A_29 = arith.constant 120 : i32
    %add3A_30 = arith.addi %min3A_6, %add3A_29 : i32
    "tpu.region"() ({
      %run_scoped3A = tpu.sem_alloc : memref<!tpu.dma_semaphore, #tpu.memory_space<semaphore_mem>>
      %dma_start3A_44 = arith.constant 0 : i32
      %dma_start3A_45 = tpu.memref_slice %arg6[%add3A_30, %dma_start3A_44] : memref<5000x128xf32, #tpu.memory_space<vmem_shared>> -> memref<200x128xf32, #tpu.memory_space<vmem_shared>>
      %dma_start3A_46 = arith.constant 0 : i32
      %dma_start3A_47 = tpu.memref_slice %arg6[%add3A_30, %dma_start3A_46] : memref<5000x128xf32, #tpu.memory_space<vmem_shared>> -> memref<200x128xf32, #tpu.memory_space<vmem_shared>>
      tpu.enqueue_dma source(%arg7 : memref<200x128xf32, #tpu.memory_space<vmem>>) target(%dma_start3A_47 : memref<200x128xf32, #tpu.memory_space<vmem_shared>>) target_semaphore(%run_scoped3A : memref<!tpu.dma_semaphore, #tpu.memory_space<semaphore_mem>>)
      %dma_wait3A_48 = arith.constant 0 : i32
      %dma_wait3A_49 = tpu.memref_slice %arg6[%add3A_30, %dma_wait3A_48] : memref<5000x128xf32, #tpu.memory_space<vmem_shared>> -> memref<200x128xf32, #tpu.memory_space<vmem_shared>>
      %dma_wait3A_50 = arith.constant 0 : i32
      %dma_wait3A_51 = tpu.memref_slice %arg6[%add3A_30, %dma_wait3A_50] : memref<5000x128xf32, #tpu.memory_space<vmem_shared>> -> memref<200x128xf32, #tpu.memory_space<vmem_shared>>
      tpu.wait_dma2 semaphore(%run_scoped3A : memref<!tpu.dma_semaphore, #tpu.memory_space<semaphore_mem>>) src(%arg7 : memref<200x128xf32, #tpu.memory_space<vmem>>) dst(%dma_wait3A_51 : memref<200x128xf32, #tpu.memory_space<vmem_shared>>)
      tpu.yield
    }) : () -> ()
    %barrier3A = arith.constant 0 : index
    tpu.barrier barrier_id(%barrier3A)
    %add3A_31 = arith.constant 0 : i32
    %add3A_32 = arith.addi %mul3A_3, %add3A_31 : i32
    %dma_wait3A = tpu.memref_slice %arg3[%add3A_32] : memref<320000xi32, #tpu.memory_space<hbm>> -> memref<200xi32, #tpu.memory_space<hbm>>
    %dma_wait3A_33 = tpu.memref_slice %arg3[%add3A_32] : memref<320000xi32, #tpu.memory_space<hbm>> -> memref<200xi32, #tpu.memory_space<hbm>>
    tpu.wait_dma2 semaphore(%arg15 : memref<!tpu.dma_semaphore, #tpu.memory_space<semaphore_mem>>) src(%dma_wait3A_33 : memref<200xi32, #tpu.memory_space<hbm>>) dst(%arg9 : memref<200xi32, #tpu.memory_space<vmem>>)
    %dma_start3A_34 = arith.constant 0 : i32
    %dma_start3A_35 = arith.constant 0 : i32
    %dma_start3A_36 = tpu.memref_slice %arg2[%dma_start3A_34, %dma_start3A_35] : memref<10000x128xf32, #tpu.memory_space<hbm>> -> memref<10000x128xf32, #tpu.memory_space<hbm>>
    tpu.enqueue_indirect_dma source(%dma_start3A_36 : memref<10000x128xf32, #tpu.memory_space<hbm>>) target(%arg7 : memref<200x128xf32, #tpu.memory_space<vmem>>) offsets(%arg9 : memref<200xi32, #tpu.memory_space<vmem>>) semaphore(%arg13 : memref<!tpu.dma_semaphore, #tpu.memory_space<semaphore_mem>>)
    %scan3A_37 = arith.constant 0 : i32
    %scan3A_38 = arith.constant 0 : i32
    %scan3A_39 = arith.constant 25 : i32
    %scan3A_40 = arith.addi %scan3A_38, %scan3A_39 : i32
    %scan3A_41 = arith.constant 1 : i32
    scf.for %scan3A_44 = %scan3A_38 to %scan3A_40 step %scan3A_41  : i32 {
      %mul3A_45 = arith.constant 2 : i32
      %mul3A_46 = arith.muli %mul3A_45, %scan3A_44 : i32
      %add3A_47 = arith.constant 1 : i32
      %add3A_48 = arith.addi %mul3A_46, %add3A_47 : i32
      %mul3A_49 = arith.constant 200 : i32
      %mul3A_50 = arith.muli %add3A_48, %mul3A_49 : i32
      %add3A_51 = arith.addi %mul3A_3, %mul3A_50 : i32
      %dma_wait3A_52 = tpu.memref_slice %arg3[%add3A_51] : memref<320000xi32, #tpu.memory_space<hbm>> -> memref<200xi32, #tpu.memory_space<hbm>>
      %dma_wait3A_53 = tpu.memref_slice %arg3[%add3A_51] : memref<320000xi32, #tpu.memory_space<hbm>> -> memref<200xi32, #tpu.memory_space<hbm>>
      tpu.wait_dma2 semaphore(%arg16 : memref<!tpu.dma_semaphore, #tpu.memory_space<semaphore_mem>>) src(%dma_wait3A_53 : memref<200xi32, #tpu.memory_space<hbm>>) dst(%arg10 : memref<200xi32, #tpu.memory_space<vmem>>)
      %dma_start3A_54 = arith.constant 0 : i32
      %dma_start3A_55 = arith.constant 0 : i32
      %dma_start3A_56 = tpu.memref_slice %arg2[%dma_start3A_54, %dma_start3A_55] : memref<10000x128xf32, #tpu.memory_space<hbm>> -> memref<10000x128xf32, #tpu.memory_space<hbm>>
      tpu.enqueue_indirect_dma source(%dma_start3A_56 : memref<10000x128xf32, #tpu.memory_space<hbm>>) target(%arg8 : memref<200x128xf32, #tpu.memory_space<vmem>>) offsets(%arg10 : memref<200xi32, #tpu.memory_space<vmem>>) semaphore(%arg14 : memref<!tpu.dma_semaphore, #tpu.memory_space<semaphore_mem>>)
      %dma_wait3A_57 = arith.constant 0 : i32
      %dma_wait3A_58 = arith.constant 0 : i32
      %dma_wait3A_59 = tpu.memref_slice %arg2[%dma_wait3A_57, %dma_wait3A_58] : memref<10000x128xf32, #tpu.memory_space<hbm>> -> memref<10000x128xf32, #tpu.memory_space<hbm>>
      tpu.wait_indirect_dma semaphore(%arg13 : memref<!tpu.dma_semaphore, #tpu.memory_space<semaphore_mem>>) src(%dma_wait3A_59 : memref<10000x128xf32, #tpu.memory_space<hbm>>) dst(%arg7 : memref<200x128xf32, #tpu.memory_space<vmem>>)
      %mul3A_60 = arith.constant 200 : i32
      %mul3A_61 = arith.muli %mul3A_46, %mul3A_60 : i32
      %add3A_62 = arith.addi %mul3A_3, %mul3A_61 : i32
      %dma_wait3A_63 = tpu.memref_slice %arg4[%add3A_62] : memref<320000xi32, #tpu.memory_space<hbm>> -> memref<200xi32, #tpu.memory_space<hbm>>
      %dma_wait3A_64 = tpu.memref_slice %arg4[%add3A_62] : memref<320000xi32, #tpu.memory_space<hbm>> -> memref<200xi32, #tpu.memory_space<hbm>>
      tpu.wait_dma2 semaphore(%arg17 : memref<!tpu.dma_semaphore, #tpu.memory_space<semaphore_mem>>) src(%dma_wait3A_64 : memref<200xi32, #tpu.memory_space<hbm>>) dst(%arg11 : memref<200xi32, #tpu.memory_space<vmem>>)
      %add3A_65 = arith.constant 2 : i32
      %add3A_66 = arith.addi %mul3A_46, %add3A_65 : i32
      %lt3A = arith.constant 50 : i32
      %lt3A_67 = arith.cmpi slt, %add3A_66, %lt3A : i32
      %convert_element_type3A = arith.extui %lt3A_67 : i1 to i32
      %cond3A = arith.constant 0 : i32
      %cond3A_68 = arith.cmpi ne, %convert_element_type3A, %cond3A : i32
      scf.if %cond3A_68 {
        %add3A_100 = arith.constant 2 : i32
        %add3A_101 = arith.addi %mul3A_46, %add3A_100 : i32
        %mul3A_102 = arith.constant 200 : i32
        %mul3A_103 = arith.muli %add3A_101, %mul3A_102 : i32
        %add3A_104 = arith.addi %mul3A_3, %mul3A_103 : i32
        %dma_start3A_105 = tpu.memref_slice %arg3[%add3A_104] : memref<320000xi32, #tpu.memory_space<hbm>> -> memref<200xi32, #tpu.memory_space<hbm>>
        %dma_start3A_106 = tpu.memref_slice %arg3[%add3A_104] : memref<320000xi32, #tpu.memory_space<hbm>> -> memref<200xi32, #tpu.memory_space<hbm>>
        tpu.enqueue_dma source(%dma_start3A_106 : memref<200xi32, #tpu.memory_space<hbm>>) target(%arg9 : memref<200xi32, #tpu.memory_space<vmem>>) target_semaphore(%arg15 : memref<!tpu.dma_semaphore, #tpu.memory_space<semaphore_mem>>)
      } else {
      }
      "tpu.region"() ({
        %run_scoped3A = tpu.sem_alloc : memref<!tpu.dma_semaphore, #tpu.memory_space<semaphore_mem>>
        %dma_start3A_100 = arith.constant 0 : i32
        %dma_start3A_101 = arith.constant 0 : i32
        %dma_start3A_102 = tpu.memref_slice %arg6[%dma_start3A_100, %dma_start3A_101] : memref<5000x128xf32, #tpu.memory_space<vmem_shared>> -> memref<5000x128xf32, #tpu.memory_space<vmem_shared>>
        tpu.enqueue_indirect_dma source(%arg7 : memref<200x128xf32, #tpu.memory_space<vmem>>) target(%dma_start3A_102 : memref<5000x128xf32, #tpu.memory_space<vmem_shared>>) offsets(%arg11 : memref<200xi32, #tpu.memory_space<vmem>>) semaphore(%run_scoped3A : memref<!tpu.dma_semaphore, #tpu.memory_space<semaphore_mem>>) {add = true}
        %dma_wait3A_103 = arith.constant 0 : i32
        %dma_wait3A_104 = arith.constant 0 : i32
        %dma_wait3A_105 = tpu.memref_slice %arg6[%dma_wait3A_103, %dma_wait3A_104] : memref<5000x128xf32, #tpu.memory_space<vmem_shared>> -> memref<5000x128xf32, #tpu.memory_space<vmem_shared>>
        tpu.wait_indirect_dma semaphore(%run_scoped3A : memref<!tpu.dma_semaphore, #tpu.memory_space<semaphore_mem>>) src(%arg7 : memref<200x128xf32, #tpu.memory_space<vmem>>) dst(%dma_wait3A_105 : memref<5000x128xf32, #tpu.memory_space<vmem_shared>>)
        tpu.yield
      }) : () -> ()
      %add3A_69 = arith.constant 2 : i32
      %add3A_70 = arith.addi %mul3A_46, %add3A_69 : i32
      %lt3A_71 = arith.constant 50 : i32
      %lt3A_72 = arith.cmpi slt, %add3A_70, %lt3A_71 : i32
      %convert_element_type3A_73 = arith.extui %lt3A_72 : i1 to i32
      %cond3A_74 = arith.constant 0 : i32
      %cond3A_75 = arith.cmpi ne, %convert_element_type3A_73, %cond3A_74 : i32
      scf.if %cond3A_75 {
        %add3A_100 = arith.constant 2 : i32
        %add3A_101 = arith.addi %mul3A_46, %add3A_100 : i32
        %mul3A_102 = arith.constant 200 : i32
        %mul3A_103 = arith.muli %add3A_101, %mul3A_102 : i32
        %add3A_104 = arith.addi %mul3A_3, %mul3A_103 : i32
        %dma_start3A_105 = tpu.memref_slice %arg4[%add3A_104] : memref<320000xi32, #tpu.memory_space<hbm>> -> memref<200xi32, #tpu.memory_space<hbm>>
        %dma_start3A_106 = tpu.memref_slice %arg4[%add3A_104] : memref<320000xi32, #tpu.memory_space<hbm>> -> memref<200xi32, #tpu.memory_space<hbm>>
        tpu.enqueue_dma source(%dma_start3A_106 : memref<200xi32, #tpu.memory_space<hbm>>) target(%arg11 : memref<200xi32, #tpu.memory_space<vmem>>) target_semaphore(%arg17 : memref<!tpu.dma_semaphore, #tpu.memory_space<semaphore_mem>>)
        %add3A_107 = arith.constant 2 : i32
        %add3A_108 = arith.addi %mul3A_46, %add3A_107 : i32
        %mul3A_109 = arith.constant 200 : i32
        %mul3A_110 = arith.muli %add3A_108, %mul3A_109 : i32
        %add3A_111 = arith.addi %mul3A_3, %mul3A_110 : i32
        %dma_wait3A_112 = tpu.memref_slice %arg3[%add3A_111] : memref<320000xi32, #tpu.memory_space<hbm>> -> memref<200xi32, #tpu.memory_space<hbm>>
        %dma_wait3A_113 = tpu.memref_slice %arg3[%add3A_111] : memref<320000xi32, #tpu.memory_space<hbm>> -> memref<200xi32, #tpu.memory_space<hbm>>
        tpu.wait_dma2 semaphore(%arg15 : memref<!tpu.dma_semaphore, #tpu.memory_space<semaphore_mem>>) src(%dma_wait3A_113 : memref<200xi32, #tpu.memory_space<hbm>>) dst(%arg9 : memref<200xi32, #tpu.memory_space<vmem>>)
        %dma_start3A_114 = arith.constant 0 : i32
        %dma_start3A_115 = arith.constant 0 : i32
        %dma_start3A_116 = tpu.memref_slice %arg2[%dma_start3A_114, %dma_start3A_115] : memref<10000x128xf32, #tpu.memory_space<hbm>> -> memref<10000x128xf32, #tpu.memory_space<hbm>>
        tpu.enqueue_indirect_dma source(%dma_start3A_116 : memref<10000x128xf32, #tpu.memory_space<hbm>>) target(%arg7 : memref<200x128xf32, #tpu.memory_space<vmem>>) offsets(%arg9 : memref<200xi32, #tpu.memory_space<vmem>>) semaphore(%arg13 : memref<!tpu.dma_semaphore, #tpu.memory_space<semaphore_mem>>)
      } else {
      }
      %dma_wait3A_76 = arith.constant 0 : i32
      %dma_wait3A_77 = arith.constant 0 : i32
      %dma_wait3A_78 = tpu.memref_slice %arg2[%dma_wait3A_76, %dma_wait3A_77] : memref<10000x128xf32, #tpu.memory_space<hbm>> -> memref<10000x128xf32, #tpu.memory_space<hbm>>
      tpu.wait_indirect_dma semaphore(%arg14 : memref<!tpu.dma_semaphore, #tpu.memory_space<semaphore_mem>>) src(%dma_wait3A_78 : memref<10000x128xf32, #tpu.memory_space<hbm>>) dst(%arg8 : memref<200x128xf32, #tpu.memory_space<vmem>>)
      %add3A_79 = arith.constant 1 : i32
      %add3A_80 = arith.addi %mul3A_46, %add3A_79 : i32
      %mul3A_81 = arith.constant 200 : i32
      %mul3A_82 = arith.muli %add3A_80, %mul3A_81 : i32
      %add3A_83 = arith.addi %mul3A_3, %mul3A_82 : i32
      %dma_wait3A_84 = tpu.memref_slice %arg4[%add3A_83] : memref<320000xi32, #tpu.memory_space<hbm>> -> memref<200xi32, #tpu.memory_space<hbm>>
      %dma_wait3A_85 = tpu.memref_slice %arg4[%add3A_83] : memref<320000xi32, #tpu.memory_space<hbm>> -> memref<200xi32, #tpu.memory_space<hbm>>
      tpu.wait_dma2 semaphore(%arg18 : memref<!tpu.dma_semaphore, #tpu.memory_space<semaphore_mem>>) src(%dma_wait3A_85 : memref<200xi32, #tpu.memory_space<hbm>>) dst(%arg12 : memref<200xi32, #tpu.memory_space<vmem>>)
      %add3A_86 = arith.constant 3 : i32
      %add3A_87 = arith.addi %mul3A_46, %add3A_86 : i32
      %lt3A_88 = arith.constant 50 : i32
      %lt3A_89 = arith.cmpi slt, %add3A_87, %lt3A_88 : i32
      %convert_element_type3A_90 = arith.extui %lt3A_89 : i1 to i32
      %cond3A_91 = arith.constant 0 : i32
      %cond3A_92 = arith.cmpi ne, %convert_element_type3A_90, %cond3A_91 : i32
      scf.if %cond3A_92 {
        %add3A_100 = arith.constant 3 : i32
        %add3A_101 = arith.addi %mul3A_46, %add3A_100 : i32
        %mul3A_102 = arith.constant 200 : i32
        %mul3A_103 = arith.muli %add3A_101, %mul3A_102 : i32
        %add3A_104 = arith.addi %mul3A_3, %mul3A_103 : i32
        %dma_start3A_105 = tpu.memref_slice %arg3[%add3A_104] : memref<320000xi32, #tpu.memory_space<hbm>> -> memref<200xi32, #tpu.memory_space<hbm>>
        %dma_start3A_106 = tpu.memref_slice %arg3[%add3A_104] : memref<320000xi32, #tpu.memory_space<hbm>> -> memref<200xi32, #tpu.memory_space<hbm>>
        tpu.enqueue_dma source(%dma_start3A_106 : memref<200xi32, #tpu.memory_space<hbm>>) target(%arg10 : memref<200xi32, #tpu.memory_space<vmem>>) target_semaphore(%arg16 : memref<!tpu.dma_semaphore, #tpu.memory_space<semaphore_mem>>)
      } else {
      }
      "tpu.region"() ({
        %run_scoped3A = tpu.sem_alloc : memref<!tpu.dma_semaphore, #tpu.memory_space<semaphore_mem>>
        %dma_start3A_100 = arith.constant 0 : i32
        %dma_start3A_101 = arith.constant 0 : i32
        %dma_start3A_102 = tpu.memref_slice %arg6[%dma_start3A_100, %dma_start3A_101] : memref<5000x128xf32, #tpu.memory_space<vmem_shared>> -> memref<5000x128xf32, #tpu.memory_space<vmem_shared>>
        tpu.enqueue_indirect_dma source(%arg8 : memref<200x128xf32, #tpu.memory_space<vmem>>) target(%dma_start3A_102 : memref<5000x128xf32, #tpu.memory_space<vmem_shared>>) offsets(%arg12 : memref<200xi32, #tpu.memory_space<vmem>>) semaphore(%run_scoped3A : memref<!tpu.dma_semaphore, #tpu.memory_space<semaphore_mem>>) {add = true}
        %dma_wait3A_103 = arith.constant 0 : i32
        %dma_wait3A_104 = arith.constant 0 : i32
        %dma_wait3A_105 = tpu.memref_slice %arg6[%dma_wait3A_103, %dma_wait3A_104] : memref<5000x128xf32, #tpu.memory_space<vmem_shared>> -> memref<5000x128xf32, #tpu.memory_space<vmem_shared>>
        tpu.wait_indirect_dma semaphore(%run_scoped3A : memref<!tpu.dma_semaphore, #tpu.memory_space<semaphore_mem>>) src(%arg8 : memref<200x128xf32, #tpu.memory_space<vmem>>) dst(%dma_wait3A_105 : memref<5000x128xf32, #tpu.memory_space<vmem_shared>>)
        tpu.yield
      }) : () -> ()
      %add3A_93 = arith.constant 3 : i32
      %add3A_94 = arith.addi %mul3A_46, %add3A_93 : i32
      %lt3A_95 = arith.constant 50 : i32
      %lt3A_96 = arith.cmpi slt, %add3A_94, %lt3A_95 : i32
      %convert_element_type3A_97 = arith.extui %lt3A_96 : i1 to i32
      %cond3A_98 = arith.constant 0 : i32
      %cond3A_99 = arith.cmpi ne, %convert_element_type3A_97, %cond3A_98 : i32
      scf.if %cond3A_99 {
        %add3A_100 = arith.constant 3 : i32
        %add3A_101 = arith.addi %mul3A_46, %add3A_100 : i32
        %mul3A_102 = arith.constant 200 : i32
        %mul3A_103 = arith.muli %add3A_101, %mul3A_102 : i32
        %add3A_104 = arith.addi %mul3A_3, %mul3A_103 : i32
        %dma_start3A_105 = tpu.memref_slice %arg4[%add3A_104] : memref<320000xi32, #tpu.memory_space<hbm>> -> memref<200xi32, #tpu.memory_space<hbm>>
        %dma_start3A_106 = tpu.memref_slice %arg4[%add3A_104] : memref<320000xi32, #tpu.memory_space<hbm>> -> memref<200xi32, #tpu.memory_space<hbm>>
        tpu.enqueue_dma source(%dma_start3A_106 : memref<200xi32, #tpu.memory_space<hbm>>) target(%arg12 : memref<200xi32, #tpu.memory_space<vmem>>) target_semaphore(%arg18 : memref<!tpu.dma_semaphore, #tpu.memory_space<semaphore_mem>>)
      } else {
      }
    }
    %scan3A_42 = arith.constant 25 : i32
    %barrier3A_43 = arith.constant 0 : index
    tpu.barrier barrier_id(%barrier3A_43)
    "tpu.region"() ({
      %run_scoped3A = tpu.sem_alloc : memref<!tpu.dma_semaphore, #tpu.memory_space<semaphore_mem>>
      %dma_start3A_44 = arith.constant 0 : i32
      %dma_start3A_45 = tpu.memref_slice %arg5[%arg0, %min3A_6, %dma_start3A_44] : memref<2x5000x128xf32, #tpu.memory_space<hbm>> -> memref<1x320x128xf32, #tpu.memory_space<hbm>>
      %dma_start3A_46 = tpu.memref_squeeze %dma_start3A_45 : memref<1x320x128xf32, #tpu.memory_space<hbm>> -> memref<320x128xf32, #tpu.memory_space<hbm>>
      %dma_start3A_47 = arith.constant 0 : i32
      %dma_start3A_48 = tpu.memref_slice %arg6[%min3A_6, %dma_start3A_47] : memref<5000x128xf32, #tpu.memory_space<vmem_shared>> -> memref<320x128xf32, #tpu.memory_space<vmem_shared>>
      tpu.enqueue_dma source(%dma_start3A_48 : memref<320x128xf32, #tpu.memory_space<vmem_shared>>) target(%dma_start3A_46 : memref<320x128xf32, #tpu.memory_space<hbm>>) target_semaphore(%run_scoped3A : memref<!tpu.dma_semaphore, #tpu.memory_space<semaphore_mem>>)
      %dma_wait3A_49 = arith.constant 0 : i32
      %dma_wait3A_50 = tpu.memref_slice %arg5[%arg0, %min3A_6, %dma_wait3A_49] : memref<2x5000x128xf32, #tpu.memory_space<hbm>> -> memref<1x320x128xf32, #tpu.memory_space<hbm>>
      %dma_wait3A_51 = tpu.memref_squeeze %dma_wait3A_50 : memref<1x320x128xf32, #tpu.memory_space<hbm>> -> memref<320x128xf32, #tpu.memory_space<hbm>>
      %dma_wait3A_52 = arith.constant 0 : i32
      %dma_wait3A_53 = tpu.memref_slice %arg6[%min3A_6, %dma_wait3A_52] : memref<5000x128xf32, #tpu.memory_space<vmem_shared>> -> memref<320x128xf32, #tpu.memory_space<vmem_shared>>
      tpu.wait_dma2 semaphore(%run_scoped3A : memref<!tpu.dma_semaphore, #tpu.memory_space<semaphore_mem>>) src(%dma_wait3A_53 : memref<320x128xf32, #tpu.memory_space<vmem_shared>>) dst(%dma_wait3A_51 : memref<320x128xf32, #tpu.memory_space<hbm>>)
      tpu.yield
    }) : () -> ()
    return
  }
}

module attributes {stable_mosaic.version = 14 : i64} {
  func.func @_mm_body(%arg0: i32, %arg1: memref<1000x128xf32, #tpu.memory_space<vmem>>, %arg2: memref<1000x1xf32, #tpu.memory_space<vmem>>, %arg3: memref<128x128xf32, #tpu.memory_space<vmem>>, %arg4: memref<1000x128xf32, #tpu.memory_space<vmem>>) attributes {dimension_semantics = [#tpu.dimension_semantics<arbitrary>], iteration_bounds = array<i64: 10>, scalar_prefetch = 0 : i64, scratch_operands = 0 : i64, tpu.core_type = #tpu.core_type<tc>, window_params = [{transform_indices = @transform_0, window_bounds = array<i64: 1000, 128>}, {transform_indices = @transform_1, window_bounds = array<i64: 1000, 1>}, {pipeline_mode = #tpu.pipeline_mode<synchronous>, transform_indices = @transform_2, window_bounds = array<i64: 128, 128>}, {transform_indices = @transform_3, window_bounds = array<i64: 1000, 128>}]} {
    %get3A = arith.constant 0 : index
    %get3A_0 = arith.constant 0 : index
    %get3A_1 = vector.load %arg1[%get3A, %get3A_0] : memref<1000x128xf32, #tpu.memory_space<vmem>>, vector<1000x128xf32>
    %get3A_2 = arith.constant 0 : index
    %get3A_3 = arith.constant 0 : index
    %get3A_4 = vector.load %arg2[%get3A_2, %get3A_3] : memref<1000x1xf32, #tpu.memory_space<vmem>>, vector<1000x1xf32>
    %mul3A = vector.broadcast %get3A_4 : vector<1000x1xf32> to vector<1000x128xf32>
    %mul3A_5 = arith.mulf %get3A_1, %mul3A : vector<1000x128xf32>
    %get3A_6 = arith.constant 0 : index
    %get3A_7 = arith.constant 0 : index
    %get3A_8 = vector.load %arg3[%get3A_6, %get3A_7] : memref<128x128xf32, #tpu.memory_space<vmem>>, vector<128x128xf32>
    %dot_general3A = arith.constant dense<0.000000e+00> : vector<1000x128xf32>
    %dot_general3A_9 = tpu.matmul %mul3A_5, %get3A_8, %dot_general3A {dimension_numbers = #tpu.dot_dimension_numbers<[1], [0], [0], [1], [0, 0, 1, 1], [], []>, transpose_lhs_hint = false} : vector<1000x128xf32>, vector<128x128xf32>, vector<1000x128xf32> -> vector<1000x128xf32>
    %swap3A = arith.constant 0 : index
    %swap3A_10 = arith.constant 0 : index
    %swap3A_11 = vector.load %arg4[%swap3A, %swap3A_10] : memref<1000x128xf32, #tpu.memory_space<vmem>>, vector<1000x128xf32>
    tpu.vector_store %arg4[%swap3A, %swap3A_10], %dot_general3A_9 {strides = array<i32>} : memref<1000x128xf32, #tpu.memory_space<vmem>>, vector<1000x128xf32>,
    return
  }
  func.func @transform_0(%arg0: i32) -> (i32, i32) {
    %c0_i32 = arith.constant 0 : i32
    %c0_i32_0 = arith.constant 0 : i32
    return %arg0, %c0_i32 : i32, i32
  }
  func.func @transform_1(%arg0: i32) -> (i32, i32) {
    %c0_i32 = arith.constant 0 : i32
    %c0_i32_0 = arith.constant 0 : i32
    return %arg0, %c0_i32 : i32, i32
  }
  func.func @transform_2(%arg0: i32) -> (i32, i32) {
    %c0_i32 = arith.constant 0 : i32
    %c0_i32_0 = arith.constant 0 : i32
    %c0_i32_1 = arith.constant 0 : i32
    return %c0_i32, %c0_i32_0 : i32, i32
  }
  func.func @transform_3(%arg0: i32) -> (i32, i32) {
    %c0_i32 = arith.constant 0 : i32
    %c0_i32_0 = arith.constant 0 : i32
    return %arg0, %c0_i32 : i32, i32
  }
}

module attributes {stable_mosaic.version = 14 : i64} {
  func.func @_epi_body(%arg0: i32, %arg1: memref<1000x128xf32, #tpu.memory_space<vmem>>, %arg2: memref<1000x128xf32, #tpu.memory_space<vmem>>, %arg3: memref<1000x128xf32, #tpu.memory_space<vmem>>, %arg4: memref<1000x1xf32, #tpu.memory_space<vmem>>, %arg5: memref<1x128xf32, #tpu.memory_space<vmem>>, %arg6: memref<1x128xf32, #tpu.memory_space<vmem>>, %arg7: memref<1x128xf32, #tpu.memory_space<vmem>>, %arg8: memref<128x128xf32, #tpu.memory_space<vmem>>, %arg9: memref<1000x128xf32, #tpu.memory_space<vmem>>, %arg10: memref<1000x128xf32, #tpu.memory_space<vmem>>) attributes {dimension_semantics = [#tpu.dimension_semantics<arbitrary>], iteration_bounds = array<i64: 10>, scalar_prefetch = 0 : i64, scratch_operands = 0 : i64, tpu.core_type = #tpu.core_type<tc>, window_params = [{transform_indices = @transform_0, window_bounds = array<i64: 1000, 128>}, {transform_indices = @transform_1, window_bounds = array<i64: 1000, 128>}, {transform_indices = @transform_2, window_bounds = array<i64: 1000, 128>}, {transform_indices = @transform_3, window_bounds = array<i64: 1000, 1>}, {pipeline_mode = #tpu.pipeline_mode<synchronous>, transform_indices = @transform_4, window_bounds = array<i64: 1, 128>}, {pipeline_mode = #tpu.pipeline_mode<synchronous>, transform_indices = @transform_5, window_bounds = array<i64: 1, 128>}, {pipeline_mode = #tpu.pipeline_mode<synchronous>, transform_indices = @transform_6, window_bounds = array<i64: 1, 128>}, {pipeline_mode = #tpu.pipeline_mode<synchronous>, transform_indices = @transform_7, window_bounds = array<i64: 128, 128>}, {transform_indices = @transform_8, window_bounds = array<i64: 1000, 128>}, {transform_indices = @transform_9, window_bounds = array<i64: 1000, 128>}]} {
    %get3A = arith.constant 0 : index
    %get3A_0 = arith.constant 0 : index
    %get3A_1 = vector.load %arg4[%get3A, %get3A_0] : memref<1000x1xf32, #tpu.memory_space<vmem>>, vector<1000x1xf32>
    %get3A_2 = arith.constant 0 : index
    %get3A_3 = arith.constant 0 : index
    %get3A_4 = vector.load %arg1[%get3A_2, %get3A_3] : memref<1000x128xf32, #tpu.memory_space<vmem>>, vector<1000x128xf32>
    %get3A_5 = arith.constant 0 : index
    %get3A_6 = arith.constant 0 : index
    %get3A_7 = vector.load %arg2[%get3A_5, %get3A_6] : memref<1000x128xf32, #tpu.memory_space<vmem>>, vector<1000x128xf32>
    %get3A_8 = arith.constant 0 : index
    %get3A_9 = arith.constant 0 : index
    %get3A_10 = vector.load %arg3[%get3A_8, %get3A_9] : memref<1000x128xf32, #tpu.memory_space<vmem>>, vector<1000x128xf32>
    %get3A_11 = arith.constant 0 : index
    %get3A_12 = arith.constant 0 : index
    %get3A_13 = vector.load %arg5[%get3A_11, %get3A_12] : memref<1x128xf32, #tpu.memory_space<vmem>>, vector<1x128xf32>
    %get3A_14 = arith.constant 0 : index
    %get3A_15 = arith.constant 0 : index
    %get3A_16 = vector.load %arg6[%get3A_14, %get3A_15] : memref<1x128xf32, #tpu.memory_space<vmem>>, vector<1x128xf32>
    %get3A_17 = arith.constant 0 : index
    %get3A_18 = arith.constant 0 : index
    %get3A_19 = vector.load %arg7[%get3A_17, %get3A_18] : memref<1x128xf32, #tpu.memory_space<vmem>>, vector<1x128xf32>
    %add3A = arith.addf %get3A_10, %get3A_7 : vector<1000x128xf32>
    %mul3A = vector.broadcast %get3A_1 : vector<1000x1xf32> to vector<1000x128xf32>
    %mul3A_20 = arith.mulf %mul3A, %add3A : vector<1000x128xf32>
    %add3A_21 = vector.broadcast %get3A_13 : vector<1x128xf32> to vector<1000x128xf32>
    %add3A_22 = arith.addf %mul3A_20, %add3A_21 : vector<1000x128xf32>
    %reduce_sum3A = arith.constant dense<0.000000e+00> : vector<1000xf32>
    %reduce_sum3A_23 = vector.multi_reduction <add>, %add3A_22, %reduce_sum3A [1] : vector<1000x128xf32> to vector<1000xf32>
    %broadcast_in_dim3A = vector.shape_cast %reduce_sum3A_23 : vector<1000xf32> to vector<1000x1xf32>
    %div3A = arith.constant 1.280000e+02 : f32
    %div3A_24 = vector.broadcast %div3A : f32 to vector<1000x1xf32>
    %div3A_25 = arith.divf %broadcast_in_dim3A, %div3A_24 : vector<1000x1xf32>
    %sub3A = vector.broadcast %div3A_25 : vector<1000x1xf32> to vector<1000x128xf32>
    %sub3A_26 = arith.subf %add3A_22, %sub3A : vector<1000x128xf32>
    %integer_pow3A = arith.mulf %sub3A_26, %sub3A_26 : vector<1000x128xf32>
    %reduce_sum3A_27 = arith.constant dense<0.000000e+00> : vector<1000xf32>
    %reduce_sum3A_28 = vector.multi_reduction <add>, %integer_pow3A, %reduce_sum3A_27 [1] : vector<1000x128xf32> to vector<1000xf32>
    %broadcast_in_dim3A_29 = vector.shape_cast %reduce_sum3A_28 : vector<1000xf32> to vector<1000x1xf32>
    %div3A_30 = arith.constant 1.280000e+02 : f32
    %div3A_31 = vector.broadcast %div3A_30 : f32 to vector<1000x1xf32>
    %div3A_32 = arith.divf %broadcast_in_dim3A_29, %div3A_31 : vector<1000x1xf32>
    %sub3A_33 = vector.broadcast %div3A_25 : vector<1000x1xf32> to vector<1000x128xf32>
    %sub3A_34 = arith.subf %add3A_22, %sub3A_33 : vector<1000x128xf32>
    %add3A_35 = arith.constant 9.99999974E-6 : f32
    %add3A_36 = vector.broadcast %add3A_35 : f32 to vector<1000x1xf32>
    %add3A_37 = arith.addf %div3A_32, %add3A_36 : vector<1000x1xf32>
    %rsqrt3A = math.rsqrt %add3A_37 : vector<1000x1xf32>
    %mul3A_38 = vector.broadcast %rsqrt3A : vector<1000x1xf32> to vector<1000x128xf32>
    %mul3A_39 = arith.mulf %sub3A_34, %mul3A_38 : vector<1000x128xf32>
    %mul3A_40 = vector.broadcast %get3A_16 : vector<1x128xf32> to vector<1000x128xf32>
    %mul3A_41 = arith.mulf %mul3A_39, %mul3A_40 : vector<1000x128xf32>
    %add3A_42 = vector.broadcast %get3A_19 : vector<1x128xf32> to vector<1000x128xf32>
    %add3A_43 = arith.addf %mul3A_41, %add3A_42 : vector<1000x128xf32>
    %add3A_44 = arith.addf %add3A_43, %get3A_4 : vector<1000x128xf32>
    %logistic3A = arith.negf %add3A_44 : vector<1000x128xf32>
    %logistic3A_45 = math.exp %logistic3A : vector<1000x128xf32>
    %logistic3A_46 = arith.constant 1.000000e+00 : f32
    %logistic3A_47 = vector.broadcast %logistic3A_46 : f32 to vector<1000x128xf32>
    %logistic3A_48 = arith.addf %logistic3A_47, %logistic3A_45 : vector<1000x128xf32>
    %logistic3A_49 = arith.divf %logistic3A_47, %logistic3A_48 : vector<1000x128xf32>
    %mul3A_50 = arith.mulf %add3A_44, %logistic3A_49 : vector<1000x128xf32>
    %swap3A = arith.constant 0 : index
    %swap3A_51 = arith.constant 0 : index
    %swap3A_52 = vector.load %arg9[%swap3A, %swap3A_51] : memref<1000x128xf32, #tpu.memory_space<vmem>>, vector<1000x128xf32>
    tpu.vector_store %arg9[%swap3A, %swap3A_51], %mul3A_50 {strides = array<i32>} : memref<1000x128xf32, #tpu.memory_space<vmem>>, vector<1000x128xf32>,
    %mul3A_53 = vector.broadcast %get3A_1 : vector<1000x1xf32> to vector<1000x128xf32>
    %mul3A_54 = arith.mulf %mul3A_50, %mul3A_53 : vector<1000x128xf32>
    %get3A_55 = arith.constant 0 : index
    %get3A_56 = arith.constant 0 : index
    %get3A_57 = vector.load %arg8[%get3A_55, %get3A_56] : memref<128x128xf32, #tpu.memory_space<vmem>>, vector<128x128xf32>
    %dot_general3A = arith.constant dense<0.000000e+00> : vector<1000x128xf32>
    %dot_general3A_58 = tpu.matmul %mul3A_54, %get3A_57, %dot_general3A {dimension_numbers = #tpu.dot_dimension_numbers<[1], [0], [0], [1], [0, 0, 1, 1], [], []>, transpose_lhs_hint = false} : vector<1000x128xf32>, vector<128x128xf32>, vector<1000x128xf32> -> vector<1000x128xf32>
    %swap3A_59 = arith.constant 0 : index
    %swap3A_60 = arith.constant 0 : index
    %swap3A_61 = vector.load %arg10[%swap3A_59, %swap3A_60] : memref<1000x128xf32, #tpu.memory_space<vmem>>, vector<1000x128xf32>
    tpu.vector_store %arg10[%swap3A_59, %swap3A_60], %dot_general3A_58 {strides = array<i32>} : memref<1000x128xf32, #tpu.memory_space<vmem>>, vector<1000x128xf32>,
    return
  }
  func.func @transform_0(%arg0: i32) -> (i32, i32) {
    %c0_i32 = arith.constant 0 : i32
    %c0_i32_0 = arith.constant 0 : i32
    return %arg0, %c0_i32 : i32, i32
  }
  func.func @transform_1(%arg0: i32) -> (i32, i32) {
    %c0_i32 = arith.constant 0 : i32
    %c0_i32_0 = arith.constant 0 : i32
    return %arg0, %c0_i32 : i32, i32
  }
  func.func @transform_2(%arg0: i32) -> (i32, i32) {
    %c0_i32 = arith.constant 0 : i32
    %c0_i32_0 = arith.constant 0 : i32
    return %arg0, %c0_i32 : i32, i32
  }
  func.func @transform_3(%arg0: i32) -> (i32, i32) {
    %c0_i32 = arith.constant 0 : i32
    %c0_i32_0 = arith.constant 0 : i32
    return %arg0, %c0_i32 : i32, i32
  }
  func.func @transform_4(%arg0: i32) -> (i32, i32) {
    %c0_i32 = arith.constant 0 : i32
    %c0_i32_0 = arith.constant 0 : i32
    %c0_i32_1 = arith.constant 0 : i32
    return %c0_i32, %c0_i32_0 : i32, i32
  }
  func.func @transform_5(%arg0: i32) -> (i32, i32) {
    %c0_i32 = arith.constant 0 : i32
    %c0_i32_0 = arith.constant 0 : i32
    %c0_i32_1 = arith.constant 0 : i32
    return %c0_i32, %c0_i32_0 : i32, i32
  }
  func.func @transform_6(%arg0: i32) -> (i32, i32) {
    %c0_i32 = arith.constant 0 : i32
    %c0_i32_0 = arith.constant 0 : i32
    %c0_i32_1 = arith.constant 0 : i32
    return %c0_i32, %c0_i32_0 : i32, i32
  }
  func.func @transform_7(%arg0: i32) -> (i32, i32) {
    %c0_i32 = arith.constant 0 : i32
    %c0_i32_0 = arith.constant 0 : i32
    %c0_i32_1 = arith.constant 0 : i32
    return %c0_i32, %c0_i32_0 : i32, i32
  }
  func.func @transform_8(%arg0: i32) -> (i32, i32) {
    %c0_i32 = arith.constant 0 : i32
    %c0_i32_0 = arith.constant 0 : i32
    return %arg0, %c0_i32 : i32, i32
  }
  func.func @transform_9(%arg0: i32) -> (i32, i32) {
    %c0_i32 = arith.constant 0 : i32
    %c0_i32_0 = arith.constant 0 : i32
    return %arg0, %c0_i32 : i32, i32
  }
}

module attributes {stable_mosaic.version = 14 : i64} {
  func.func @_fin_body(%arg0: i32, %arg1: memref<1x2500x128xf32, #tpu.memory_space<vmem>>, %arg2: memref<1x2500x128xf32, #tpu.memory_space<vmem>>, %arg3: memref<1x2500x128xf32, #tpu.memory_space<vmem>>, %arg4: memref<1x2500x1xf32, #tpu.memory_space<vmem>>, %arg5: memref<1x128xf32, #tpu.memory_space<vmem>>, %arg6: memref<1x128xf32, #tpu.memory_space<vmem>>, %arg7: memref<1x128xf32, #tpu.memory_space<vmem>>, %arg8: memref<1x1x128xf32, #tpu.memory_space<vmem>>) attributes {dimension_semantics = [#tpu.dimension_semantics<arbitrary>], iteration_bounds = array<i64: 4>, scalar_prefetch = 0 : i64, scratch_operands = 0 : i64, tpu.core_type = #tpu.core_type<tc>, window_params = [{transform_indices = @transform_0, window_bounds = array<i64: 1, 2500, 128>}, {transform_indices = @transform_1, window_bounds = array<i64: 1, 2500, 128>}, {transform_indices = @transform_2, window_bounds = array<i64: 1, 2500, 128>}, {transform_indices = @transform_3, window_bounds = array<i64: 1, 2500, 1>}, {pipeline_mode = #tpu.pipeline_mode<synchronous>, transform_indices = @transform_4, window_bounds = array<i64: 1, 128>}, {pipeline_mode = #tpu.pipeline_mode<synchronous>, transform_indices = @transform_5, window_bounds = array<i64: 1, 128>}, {pipeline_mode = #tpu.pipeline_mode<synchronous>, transform_indices = @transform_6, window_bounds = array<i64: 1, 128>}, {transform_indices = @transform_7, window_bounds = array<i64: 1, 1, 128>}]} {
    %get3A = arith.constant 0 : index
    %get3A_0 = arith.constant 0 : index
    %get3A_1 = arith.constant 0 : index
    %get3A_2 = vector.load %arg1[%get3A, %get3A_0, %get3A_1] : memref<1x2500x128xf32, #tpu.memory_space<vmem>>, vector<1x2500x128xf32>
    %get3A_3 = vector.shape_cast %get3A_2 : vector<1x2500x128xf32> to vector<2500x128xf32>
    %get3A_4 = arith.constant 0 : index
    %get3A_5 = arith.constant 0 : index
    %get3A_6 = arith.constant 0 : index
    %get3A_7 = vector.load %arg2[%get3A_4, %get3A_5, %get3A_6] : memref<1x2500x128xf32, #tpu.memory_space<vmem>>, vector<1x2500x128xf32>
    %get3A_8 = vector.shape_cast %get3A_7 : vector<1x2500x128xf32> to vector<2500x128xf32>
    %get3A_9 = arith.constant 0 : index
    %get3A_10 = arith.constant 0 : index
    %get3A_11 = arith.constant 0 : index
    %get3A_12 = vector.load %arg3[%get3A_9, %get3A_10, %get3A_11] : memref<1x2500x128xf32, #tpu.memory_space<vmem>>, vector<1x2500x128xf32>
    %get3A_13 = vector.shape_cast %get3A_12 : vector<1x2500x128xf32> to vector<2500x128xf32>
    %get3A_14 = arith.constant 0 : index
    %get3A_15 = arith.constant 0 : index
    %get3A_16 = arith.constant 0 : index
    %get3A_17 = vector.load %arg4[%get3A_14, %get3A_15, %get3A_16] : memref<1x2500x1xf32, #tpu.memory_space<vmem>>, vector<1x2500x1xf32>
    %get3A_18 = vector.shape_cast %get3A_17 : vector<1x2500x1xf32> to vector<2500x1xf32>
    %get3A_19 = arith.constant 0 : index
    %get3A_20 = arith.constant 0 : index
    %get3A_21 = vector.load %arg5[%get3A_19, %get3A_20] : memref<1x128xf32, #tpu.memory_space<vmem>>, vector<1x128xf32>
    %get3A_22 = arith.constant 0 : index
    %get3A_23 = arith.constant 0 : index
    %get3A_24 = vector.load %arg6[%get3A_22, %get3A_23] : memref<1x128xf32, #tpu.memory_space<vmem>>, vector<1x128xf32>
    %get3A_25 = arith.constant 0 : index
    %get3A_26 = arith.constant 0 : index
    %get3A_27 = vector.load %arg7[%get3A_25, %get3A_26] : memref<1x128xf32, #tpu.memory_space<vmem>>, vector<1x128xf32>
    %add3A = arith.addf %get3A_13, %get3A_8 : vector<2500x128xf32>
    %mul3A = vector.broadcast %get3A_18 : vector<2500x1xf32> to vector<2500x128xf32>
    %mul3A_28 = arith.mulf %mul3A, %add3A : vector<2500x128xf32>
    %add3A_29 = vector.broadcast %get3A_21 : vector<1x128xf32> to vector<2500x128xf32>
    %add3A_30 = arith.addf %mul3A_28, %add3A_29 : vector<2500x128xf32>
    %reduce_sum3A = arith.constant dense<0.000000e+00> : vector<2500xf32>
    %reduce_sum3A_31 = vector.multi_reduction <add>, %add3A_30, %reduce_sum3A [1] : vector<2500x128xf32> to vector<2500xf32>
    %broadcast_in_dim3A = vector.shape_cast %reduce_sum3A_31 : vector<2500xf32> to vector<2500x1xf32>
    %div3A = arith.constant 1.280000e+02 : f32
    %div3A_32 = vector.broadcast %div3A : f32 to vector<2500x1xf32>
    %div3A_33 = arith.divf %broadcast_in_dim3A, %div3A_32 : vector<2500x1xf32>
    %sub3A = vector.broadcast %div3A_33 : vector<2500x1xf32> to vector<2500x128xf32>
    %sub3A_34 = arith.subf %add3A_30, %sub3A : vector<2500x128xf32>
    %integer_pow3A = arith.mulf %sub3A_34, %sub3A_34 : vector<2500x128xf32>
    %reduce_sum3A_35 = arith.constant dense<0.000000e+00> : vector<2500xf32>
    %reduce_sum3A_36 = vector.multi_reduction <add>, %integer_pow3A, %reduce_sum3A_35 [1] : vector<2500x128xf32> to vector<2500xf32>
    %broadcast_in_dim3A_37 = vector.shape_cast %reduce_sum3A_36 : vector<2500xf32> to vector<2500x1xf32>
    %div3A_38 = arith.constant 1.280000e+02 : f32
    %div3A_39 = vector.broadcast %div3A_38 : f32 to vector<2500x1xf32>
    %div3A_40 = arith.divf %broadcast_in_dim3A_37, %div3A_39 : vector<2500x1xf32>
    %sub3A_41 = vector.broadcast %div3A_33 : vector<2500x1xf32> to vector<2500x128xf32>
    %sub3A_42 = arith.subf %add3A_30, %sub3A_41 : vector<2500x128xf32>
    %add3A_43 = arith.constant 9.99999974E-6 : f32
    %add3A_44 = vector.broadcast %add3A_43 : f32 to vector<2500x1xf32>
    %add3A_45 = arith.addf %div3A_40, %add3A_44 : vector<2500x1xf32>
    %rsqrt3A = math.rsqrt %add3A_45 : vector<2500x1xf32>
    %mul3A_46 = vector.broadcast %rsqrt3A : vector<2500x1xf32> to vector<2500x128xf32>
    %mul3A_47 = arith.mulf %sub3A_42, %mul3A_46 : vector<2500x128xf32>
    %mul3A_48 = vector.broadcast %get3A_24 : vector<1x128xf32> to vector<2500x128xf32>
    %mul3A_49 = arith.mulf %mul3A_47, %mul3A_48 : vector<2500x128xf32>
    %add3A_50 = vector.broadcast %get3A_27 : vector<1x128xf32> to vector<2500x128xf32>
    %add3A_51 = arith.addf %mul3A_49, %add3A_50 : vector<2500x128xf32>
    %add3A_52 = arith.addf %add3A_51, %get3A_3 : vector<2500x128xf32>
    %logistic3A = arith.negf %add3A_52 : vector<2500x128xf32>
    %logistic3A_53 = math.exp %logistic3A : vector<2500x128xf32>
    %logistic3A_54 = arith.constant 1.000000e+00 : f32
    %logistic3A_55 = vector.broadcast %logistic3A_54 : f32 to vector<2500x128xf32>
    %logistic3A_56 = arith.addf %logistic3A_55, %logistic3A_53 : vector<2500x128xf32>
    %logistic3A_57 = arith.divf %logistic3A_55, %logistic3A_56 : vector<2500x128xf32>
    %mul3A_58 = arith.mulf %add3A_52, %logistic3A_57 : vector<2500x128xf32>
    %reduce_sum3A_59 = arith.constant dense<0.000000e+00> : vector<128xf32>
    %reduce_sum3A_60 = vector.multi_reduction <add>, %mul3A_58, %reduce_sum3A_59 [0] : vector<2500x128xf32> to vector<128xf32>
    %broadcast_in_dim3A_61 = vector.shape_cast %reduce_sum3A_60 : vector<128xf32> to vector<1x128xf32>
    %div3A_62 = arith.constant 2.500000e+03 : f32
    %div3A_63 = vector.broadcast %div3A_62 : f32 to vector<1x128xf32>
    %div3A_64 = arith.divf %broadcast_in_dim3A_61, %div3A_63 : vector<1x128xf32>
    %broadcast_in_dim3A_65 = vector.shape_cast %div3A_64 : vector<1x128xf32> to vector<1x1x128xf32>
    %swap3A = arith.constant 0 : index
    %swap3A_66 = arith.constant 0 : index
    %swap3A_67 = arith.constant 0 : index
    %swap3A_68 = vector.load %arg8[%swap3A, %swap3A_66, %swap3A_67] : memref<1x1x128xf32, #tpu.memory_space<vmem>>, vector<1x1x128xf32>
    tpu.vector_store %arg8[%swap3A, %swap3A_66, %swap3A_67], %broadcast_in_dim3A_65 {strides = array<i32>} : memref<1x1x128xf32, #tpu.memory_space<vmem>>, vector<1x1x128xf32>,
    return
  }
  func.func @transform_0(%arg0: i32) -> (i32, i32, i32) {
    %c0_i32 = arith.constant 0 : i32
    %c0_i32_0 = arith.constant 0 : i32
    %c0_i32_1 = arith.constant 0 : i32
    return %arg0, %c0_i32, %c0_i32_0 : i32, i32, i32
  }
  func.func @transform_1(%arg0: i32) -> (i32, i32, i32) {
    %c0_i32 = arith.constant 0 : i32
    %c0_i32_0 = arith.constant 0 : i32
    %c0_i32_1 = arith.constant 0 : i32
    return %arg0, %c0_i32, %c0_i32_0 : i32, i32, i32
  }
  func.func @transform_2(%arg0: i32) -> (i32, i32, i32) {
    %c0_i32 = arith.constant 0 : i32
    %c0_i32_0 = arith.constant 0 : i32
    %c0_i32_1 = arith.constant 0 : i32
    return %arg0, %c0_i32, %c0_i32_0 : i32, i32, i32
  }
  func.func @transform_3(%arg0: i32) -> (i32, i32, i32) {
    %c0_i32 = arith.constant 0 : i32
    %c0_i32_0 = arith.constant 0 : i32
    %c0_i32_1 = arith.constant 0 : i32
    return %arg0, %c0_i32, %c0_i32_0 : i32, i32, i32
  }
  func.func @transform_4(%arg0: i32) -> (i32, i32) {
    %c0_i32 = arith.constant 0 : i32
    %c0_i32_0 = arith.constant 0 : i32
    %c0_i32_1 = arith.constant 0 : i32
    return %c0_i32, %c0_i32_0 : i32, i32
  }
  func.func @transform_5(%arg0: i32) -> (i32, i32) {
    %c0_i32 = arith.constant 0 : i32
    %c0_i32_0 = arith.constant 0 : i32
    %c0_i32_1 = arith.constant 0 : i32
    return %c0_i32, %c0_i32_0 : i32, i32
  }
  func.func @transform_6(%arg0: i32) -> (i32, i32) {
    %c0_i32 = arith.constant 0 : i32
    %c0_i32_0 = arith.constant 0 : i32
    %c0_i32_1 = arith.constant 0 : i32
    return %c0_i32, %c0_i32_0 : i32, i32
  }
  func.func @transform_7(%arg0: i32) -> (i32, i32, i32) {
    %c0_i32 = arith.constant 0 : i32
    %c0_i32_0 = arith.constant 0 : i32
    %c0_i32_1 = arith.constant 0 : i32
    return %arg0, %c0_i32, %c0_i32_0 : i32, i32, i32
  }
}

</mosaic_0001>

<sc_bundles>
// kernel: kernel.11.cloned.1.call-start
scs
__scs_entry_jumppad:
0x0: {  	(pc) =	sbr.rel $0x88, $3  }
0x1: {  	(tag) =	ssettag $0x0;
	lr =	simm.s32 $0x1  }
0x2: {  	[smem:$0x3F97] =	sst lr;
	_ =	strace $0xD0000000  }
0x3: {  	_ = 	snop  }
0x4: {  	_ = 	snop  }
0x5: {  	_ = 	snop  }
0x6: {  	_ = 	snop  }
0x7: {  	_ = 	snop  }
__scs_overlays_trampoline_lowered:
0x8: {  	[smem:$0x3FA6] =	sst s0  }
0x9: {  	[smem:$0x3FA7] =	sst s1  }
0xa: {  	[smem:$0x3FA8] =	sst s2  }
0xb: {  	[smem:$0x3FA9] =	sst s3  }
0xc: {  	[smem:$0x3FAA] =	sst s4  }
0xd: {  	[smem:$0x3FAB] =	sst s5  }
0xe: {  	[smem:$0x3FAC] =	sst s6  }
0xf: {  	[smem:$0x3FAD] =	sst s7  }
0x10: {  	[smem:$0x3FAE] =	sst s8  }
0x11: {  	[smem:$0x3FAF] =	sst s9;
	s0 =	simm.s32 @!p0 $0x0  }
0x12: {  	s1 =	sld [smem:$0x3F95];
	s0 =	simm.s32 @p0 $0x1  }
0x13: {  	[smem:$0x3FB0] =	sst s0;
	s0 =	simm.s32 @!p1 $0x0  }
0x14: {  	s2 =	sld [smem:$0x3F94];
	s0 =	simm.s32 @p1 $0x1  }
0x15: {  	[smem:$0x3FB1] =	sst s0;
	s0 =	simm.s32 @!p2 $0x0  }
0x16: {  	s3 =	sld [smem:$0x3FDB];
	s0 =	simm.s32 @p2 $0x1  }
0x17: {  	s4 =	simm.s32 $0x1BF5;
	[smem:$0x3FB3] =	sst s0  }
0x18: {  	s0 =	sld [smem:$0x3F96];
	_ =	swait.ge [sflag:s4], $0x0  }
0x19: {  	s7 =	sld [smem:$0x3F97]  }
0x1a: {  	s8 =	sadd.s32 $0xFFFFE003, lr  }
0x1b: {  	s9 =	sadd.s32 $0xFFFFFEF7, lr;
	s5 =	simm.s32 $0xFFFFFFFF;
	p2 =	slt.u32 s8, $0xFFFFF086  }
0x1c: {  	p1 =	slt.u32 s9, $0xF7A;
	s5 =	simm.s32 @!p2 $0x0  }
0x1d: {  	s5 =	simm.s32 @p1 $0x1;
	p0 =	seq.s32 s7, s2  }
0x1e: {  	s7 =	smul.u32 @!p0 $0xF7A, s2;
	p2 =	seq.s32 @!p0 s5, $0x0  }
0x1f: {  	s9 =	smul.u32 $0xF7A, s1;
	s8 =	simm.s32 @!p0 $0x1BF5;
	p2 =	por !p2, p0  }
0x20: {  	[sflag:s8] =	ssyncset.s32 @!p0 $0xFFFFF086;
	s6 =	sadd.s32 @!p0 s3, s7;
	s7 =	simm.s32 @!p0 $0x108  }
0x21: {  	s3 =	sadd.s32 s3, s9;
	s6 =	sadd.s32 @!p0 $0x88, s6;
	s7 =	simm.s32 @p2 $0x1082  }
0x22: {  	[simem:s7], [sflag:s8] =	dma.local @!p0 [hbm:s6], $0xF7A  }
0x23: {  	s9 =	sor.u32 $0xD0000000, s2;
	s6 =	simm.s32 $0x108;
	_ =	swait.ge @!p0 [sflag:s8], $0x0  }
0x24: {  	s3 =	sadd.s32 $0x88, s3;
	s6 =	simm.s32 @!p1 $0x1082;
	[sflag:s4] =	ssyncset.s32 $0xFFFFF086  }
0x25: {  	[simem:s6], [sflag:s4] =	dma.local [hbm:s3], $0xF7A  }
0x26: {  	[smem:$0x3F97] =	sst s1;
	(tag) =	ssettag s2;
	_ =	strace s9  }
0x27: {  	s1 =	sld [smem:$0x3FA7]  }
0x28: {  	s2 =	sld [smem:$0x3FA8]  }
0x29: {  	s4 =	sld [smem:$0x3FAA]  }
0x2a: {  	p0 =	seq.s32 s5, $0x0;
	s5 =	sld [smem:$0x3FAB]  }
0x2b: {  	s6 =	sld [smem:$0x3FAC]  }
0x2c: {  	s7 =	sld [smem:$0x3FAD]  }
0x2d: {  	s3 =	simm.s32 $0x108;
	s8 =	sld [smem:$0x3FAE]  }
0x2e: {  	s3 =	simm.s32 @!p0 $0x1082;
	s9 =	sld [smem:$0x3FAF]  }
0x2f: {  	lr =	sadd.s32 s0, s3;
	s0 =	sld [smem:$0x3FA6]  }
0x30: {  	s3 =	sld [smem:$0x3FA9]  }
0x31: {  	[smem:$0x3FB2] =	sst s10  }
0x32: {  	s10 =	sld [smem:$0x3FB0];
	_ =	sdelay $0x3  }
0x33: {  	p0 =	seq.s32 s10, $0x1;
	s10 =	sld [smem:$0x3FB2];
	_ =	sdelay $0x3  }
0x34: {  	[smem:$0x3FB2] =	sst s10  }
0x35: {  	s10 =	sld [smem:$0x3FB1];
	_ =	sdelay $0x3  }
0x36: {  	p1 =	seq.s32 s10, $0x1;
	s10 =	sld [smem:$0x3FB2];
	_ =	sdelay $0x3  }
0x37: {  	[smem:$0x3FB2] =	sst s10  }
0x38: {  	s10 =	sld [smem:$0x3FB3]  }
0x39: {  	_ = 	snop;
	(pc) =	sbr.ind lr, $3  }
0x3a: {  	_ = 	snop  }
0x3b: {  	_ = 	snop  }
0x3c: {  	p2 =	seq.s32 s10, $0x1;
	s10 =	sld [smem:$0x3FB2]  }
0x3d: {  	_ =	shalt  }
0x3e: {  	_ =	shalt  }
0x3f: {  	_ =	shalt  }
0x40: {  	_ =	shalt  }
0x41: {  	_ =	shalt  }
0x42: {  	_ =	shalt  }
0x43: {  	_ =	shalt  }
0x44: {  	_ =	shalt  }
0x45: {  	_ =	shalt  }
0x46: {  	_ =	shalt  }
0x47: {  	_ =	shalt  }
0x48: {  	_ =	shalt  }
0x49: {  	_ =	shalt  }
0x4a: {  	_ =	shalt  }
0x4b: {  	_ =	shalt  }
0x4c: {  	_ =	shalt  }
0x4d: {  	_ =	shalt  }
0x4e: {  	_ =	shalt  }
0x4f: {  	_ =	shalt  }
0x50: {  	_ =	shalt  }
0x51: {  	_ =	shalt  }
0x52: {  	_ =	shalt  }
0x53: {  	_ =	shalt  }
0x54: {  	_ =	shalt  }
0x55: {  	_ =	shalt  }
0x56: {  	_ =	shalt  }
0x57: {  	_ =	shalt  }
0x58: {  	_ =	shalt  }
0x59: {  	_ =	shalt  }
0x5a: {  	_ =	shalt  }
0x5b: {  	_ =	shalt  }
0x5c: {  	_ =	shalt  }
0x5d: {  	_ =	shalt  }
0x5e: {  	_ =	shalt  }
0x5f: {  	_ =	shalt  }
0x60: {  	_ =	shalt  }
0x61: {  	_ =	shalt  }
0x62: {  	_ =	shalt  }
0x63: {  	_ =	shalt  }
0x64: {  	_ =	shalt  }
0x65: {  	_ =	shalt  }
0x66: {  	_ =	shalt  }
0x67: {  	_ =	shalt  }
0x68: {  	_ =	shalt  }
0x69: {  	_ =	shalt  }
0x6a: {  	_ =	shalt  }
0x6b: {  	_ =	shalt  }
0x6c: {  	_ =	shalt  }
0x6d: {  	_ =	shalt  }
0x6e: {  	_ =	shalt  }
0x6f: {  	_ =	shalt  }
0x70: {  	_ =	shalt  }
0x71: {  	_ =	shalt  }
0x72: {  	_ =	shalt  }
0x73: {  	_ =	shalt  }
0x74: {  	_ =	shalt  }
0x75: {  	_ =	shalt  }
0x76: {  	_ =	shalt  }
0x77: {  	_ =	shalt  }
0x78: {  	_ =	shalt  }
0x79: {  	_ =	shalt  }
0x7a: {  	_ =	shalt  }
0x7b: {  	_ =	shalt  }
0x7c: {  	_ =	shalt  }
0x7d: {  	_ =	shalt  }
0x7e: {  	_ =	shalt  }
0x7f: {  	_ =	shalt  }
0x80: {  	_ =	shalt  }
0x81: {  	_ =	shalt  }
0x82: {  	_ =	shalt  }
0x83: {  	_ =	shalt  }
0x84: {  	_ =	shalt  }
0x85: {  	_ =	shalt  }
0x86: {  	_ =	shalt  }
0x87: {  	_ =	shalt  }
.Lfunc_end0:
.L_simem_size_0:
called_computation.1_lowered:
.L_overlay_start_0:
0x88: {  	s2 =	sld [smem:$0x3FD9]  }
0x89: {  	s3 =	sld [smem:$0x3FFE];
	_ =	sdelay $0x1  }
0x8a: {  	s1 =	srdreg.scid  }
0x8b: {  	s0 =	sand.u32 $0x1, s1  }
0x8c: {  	s16 =	sshll.u32 s0, $0xA;
	s2 =	sadd.s32 s3, s2  }
0x8d: {  	s2 =	sadd.s32 s2, s16  }
0x8e: {  	[smem:$0x3FBE] =	sst s2  }
0x8f: {  	_ = 	snop  }
0x90: {  	(tm) =	ssettm $0x1  }
0x91: {  	s17 =	sld [smem:$0x3FFB];
	_ =	sdelay $0x3  }
0x92: {  	_ =	strace s17  }
0x93: {  	s2 =	sld [smem:$0x3FFC];
	_ =	sdelay $0x3  }
0x94: {  	_ =	strace s2  }
0x95: {  	s2 =	sld [smem:$0x3FFD];
	_ =	sdelay $0x3  }
0x96: {  	_ =	strace s2  }
0x97: {  	_ =	strace $0x8FFFFFFF  }
0x98: {  	s18 =	sld [smem:$0x3FDB];
	_ =	sdelay $0x1  }
0x99: {  	s19 =	simm.s32 $_scs_section_size  }
0x9a: {  	s4 =	simm.s32 $_size__tile_overlayer_lowered;
	s5 =	simm.s32 $_tile_overlayer_lowered  }
0x9b: {  	s22 =	simm.s32 $0x1BFF;
	s21 =	sshll.u32 s5, $0x1;
	s2 =	sadd.s32 s19, s18  }
0x9c: {  	s6 =	simm.s32 $0x0;
	s20 =	sshll.u32 s4, $0x1;
	s4 =	sadd.s32 s21, s2  }
0x9d: {  	[timem:s6], [sflag:s22] =	dma.local [hbm:s4], s20  }
0x9e: {  	_ =	swait.ge [sflag:s22], s20  }
0x9f: {  	s3 =	ssub.s32 $0x0, s20;
	[sflag:s22] =	ssyncset.done $0x0  }
0xa0: {  	[sflag:s22] =	ssyncadd.s32 s3;
	_ =	sdelay $0x1  }
0xa1: {  	s23 =	simm.s32 $0x1B8B  }
0xa2: {  	_ =	swait.ge [sflag:s23], $0x1  }
0xa3: {  	[sflag:s23] =	ssyncset.done $0x0  }
0xa4: {  	s25 =	simm.s32 $0x1B8E;
	s24 =	sld [smem:$0x3FFE];
	[sflag:s23] =	ssyncadd.s32 $0xFFFFFFFF  }
0xa5: {  	s26 =	simm.s32 $execute0_lowered;
	[smem:$0x3FD2] =	sst s25  }
0xa6: {  	s4 =	sshll.u32 s26, $0x1;
	_ =	strace $0x80000049;
	[dreg:$0x1] =	wrdreg $0xFFFFFFFF  }
0xa7: {  	s28 =	simm.s32 $_size_execute0_lowered;
	s2 =	sadd.s32 s2, s4;
	[dreg:$0x0] =	wrdreg $0x0  }
0xa8: {  	s4 =	sshll.u32 s28, $0x1;
	[dreg:$0x2] =	wrdreg s2  }
0xa9: {  	[dreg:$0x3] =	wrdreg s4  }
0xaa: {  	[dreg:$0x4] =	wrdreg $0xC0  }
0xab: {  	_ =	task [dreg:s6], $0x5FFFF  }
0xac: {  	[dreg:$0x1] =	wrdreg $0xFFFFFFFF  }
0xad: {  	[dreg:$0x0] =	wrdreg $0x60  }
0xae: {  	[dreg:$0x2] =	wrdreg s24  }
0xaf: {  	[dreg:$0x3] =	wrdreg $0x0  }
0xb0: {  	[dreg:$0x4] =	wrdreg $0x9  }
0xb1: {  	_ =	task.clear_ibuf [dreg:s6], $0x5FFFF;
	_ =	strace $0x90000049  }
0xb2: {  	s29 =	simm.s32 $0x9;
	_ =	strace $0x8000004B  }
0xb3: {  	_ =	swait.ge [sflag:s29], $0x1  }
0xb4: {  	[sflag:s29] =	ssyncadd.s32 $0xFFFFFFFF  }
0xb5: {  	_ =	strace $0x9000004B  }
0xb6: {  	_ =	sfence  }
0xb7: {  	s30 =	sld [smem:$0x0];
	_ =	sdelay $0x2  }
0xb8: {  	s31 =	sshll.u32 s1, $0xD;
	s1 =	sshrl.u32 s1, $0x2  }
0xb9: {  	s3 =	sand.u32 $0x4000, s31;
	s1 =	sadd.s32 s1, s30  }
0xba: {  	s0 =	sor.u32 s3, s0;
	s1 =	sshll.u32 s1, $0x11  }
0xbb: {  	s0 =	sor.u32 s1, s0  }
0xbc: {  	s0 =	sadd.s32 $0x8F2B, s0  }
0xbd: {  	[sflag:s0] =	ssyncadd.remote.s32 $0x1  }
0xbe: {  	_ =	sfence.sel $0xFFFF  }
0xbf: {  	[dreg:$0x0] =	wrdreg $0xFFFFFFFF;
	(pc) =	sbr.abs _section_cstart, $3  }
0xc0: {  	[dreg:$0x1] =	wrdreg $0xFFFFFFFF  }
0xc1: {  	_ =	task.clear_ibuf [dreg:s6], $0x2FFFF;
	_ =	strace $0x9FFFFFFF  }
0xc2: {  	(tm) =	ssettm $0x7FFFFFFF  }
0xc3: {  	_ =	shalt  }
tec
execute0_lowered:
.L_overlay_start_1:
0x0: {  	(tag) =	ssettag $0x1  }
0x1: {  	s0 =	rddreg [dreg:$0x0]  }
0x2: {  	s2 =	rddreg [dreg:$0x1];
	s12 =	stileid.u32  }
0x3: {  	s1 =	srdreg.scid;
	s3 =	simm.s32 $0x0;
	s18 =	simm.s32 $0x16440  }
0x4: {  	s19 =	simm.s32 $0x16540;
	s28 =	simm.s32 $0x10040;
	s29 =	simm.s32 $0x1  }
0x5: {  	s30 =	simm.s32 $0x5;
	s4 =	smul.u32 $0x140, s12;
	s1 =	sand.u32 $0x1, s1  }
0x6: {  	s31 =	simm.s32 $0x2;
	[smem:$0x7FF] =	sst s3;
	s5 =	smul.u32 $0x9C400, s1  }
0x7: {  	_ =	strace $0x8000004A;
	s6 =	sshll.u32 s1, $0x4;
	s20 =	ssub.s32 $0x2, s1  }
0x8: {  	s1 =	smul.u32 $0x27100, s1;
	s4 =	smin.u32 s4, $0x1248;
	s6 =	sor.u32 s12, s6  }
0x9: {  	s10 =	sshrl.u32 s20, $0x1;
	s12 =	smul.u32 $0x2710, s12;
	s7 =	sshll.u32 s4, $0x7  }
0xa: {  	s4 =	sadd.s32 $0x3DC00, s0;
	s9 =	smul.u32 $0x2710, s6;
	s6 =	sadd.s32 $0x2800, s0  }
0xb: {  	s8 =	sadd.s32 s5, s7;
	s5 =	sadd.s32 $0xCC00, s0;
	s1 =	sadd.s32 s12, s1  }
0xc: {  	s8 =	sshrl.u32 s8, $0x3;
	s11 =	sadd.s32 $0xC8, s9;
	s9 =	sshrl.u32 s9, $0x3  }
0xd: {  	s25 =	sadd.s32 $0x258, s1;
	s17 =	sadd.s32 $0x190, s1;
	s1 =	simm.s32 $0x6  }
0xe: {  	s0 =	sadd.s32 s8, s0;
	s11 =	sshrl.u32 s11, $0x3;
	s8 =	ssub.s32 s20, s10  }
0xf: {  	s21 =	sadd.s32 s5, s9;
	s9 =	sadd.s32 s6, s9;
	s10 =	sadd.s32 s7, s2  }
0x10: {  	s26 =	sshrl.u32 s25, $0x3;
	s20 =	simm.s32 $0x16640;
	[dreg:$0x3] =	wrdreg s21  }
0x11: {  	s25 =	simm.s32 $0xC8;
	s22 =	sadd.s32 s5, s11;
	[dreg:$0x5] =	wrdreg s9  }
0x12: {  	s23 =	sadd.s32 s6, s11;
	s24 =	sadd.s32 $0x3C00, s10;
	s13 =	sadd.s32 $0x64E00, s0  }
0x13: {  	s14 =	smax.u32 s8, $0x1;
	s15 =	sadd.s32 s26, s6;
	[dreg:$0x4] =	wrdreg s22  }
0x14: {  	s16 =	sadd.s32 s26, s5;
	s21 =	simm.s32 $0x16740;
	[dreg:$0x6] =	wrdreg s23  }
0x15: {  	s26 =	simm.s32 $0x4;
	s0 =	simm.s32 $0x0;
	[dreg:$0x7] =	wrdreg s24  }
0x16: {  	v0 =	vimm.f32 $0.0e+00;
	s22 =	simm.s32 $0x9C40;
	s23 =	simm.s32 $0x7;
	s24 =	simm.s32 $0x3  }
.LBB2_1:
0x17: {  	s7 =	rddreg [dreg:$0x3]  }
0x18: {  	[tilespmem:s18], [sflag:$0x3] =	stream.linear.gather [hbm4b:s7+s3], $0xC8, $0x38;
	[tilespmem:$0x16840] =	vst v63  }
0x19: {  	s9 =	rddreg [dreg:$0x4]  }
0x1a: {  	[tilespmem:s19], [sflag:$0x4] =	stream.linear.gather [hbm4b:s9+s3], $0xC8, $0x38;
	[tilespmem:$0x16840] =	vst v63  }
0x1b: {  	s11 =	rddreg [dreg:$0x5]  }
0x1c: {  	[tilespmem:s20], [sflag:$0x5] =	stream.linear.gather [hbm4b:s11+s3], $0xC8, $0x38;
	[tilespmem:$0x16840] =	vst v63  }
0x1d: {  	s12 =	rddreg [dreg:$0x6];
	s8 =	simm.s32 $0x200;
	s7 =	simm.s32 $0x0  }
0x1e: {  	[tilespmem:s21], [sflag:$0x6] =	stream.linear.gather [hbm4b:s12+s3], $0xC8, $0x38;
	[tilespmem:$0x16840] =	vst v63  }
.LBB2_2:
0x1f: {  	p0 =	sne.s32 s8, $0x18E00;
	[tilespmem:s7+$0x9CB0] =	vst v0  }
0x20: {  	[tilespmem:s7+$0x9C40] =	vst v0  }
0x21: {  	[tilespmem:s7+$0x9C50] =	vst v0  }
.Ltmp0:
0x22: {  	[tilespmem:s7+$0x9C60] =	vst v0;
	(pc) =	sbr.rel @p0 .LBB2_2-.Ltmp0, $4  }
0x23: {  	[tilespmem:s7+$0x9C70] =	vst v0  }
0x24: {  	[tilespmem:s7+$0x9C80] =	vst v0  }
0x25: {  	[tilespmem:s7+$0x9C90] =	vst v0  }
0x26: {  	[tilespmem:s7+$0x9CA0] =	vst v0;
	s7 =	sshra.s32 s8, $0x2;
	s8 =	sadd.s32 $0x200, s8  }
0x27: {  	[tilespmem:s7+$0x9CB0] =	vst v0  }
0x28: {  	[tilespmem:s7+$0x9C40] =	vst v0  }
0x29: {  	[tilespmem:s7+$0x9C50] =	vst v0  }
0x2a: {  	[tilespmem:s7+$0x9C60] =	vst v0  }
0x2b: {  	[tilespmem:s7+$0x9C70] =	vst v0  }
0x2c: {  	[tilespmem:s7+$0x9C80] =	vst v0  }
0x2d: {  	[tilespmem:s7+$0x9C90] =	vst v0  }
0x2e: {  	[tilespmem:s7+$0x9CA0] =	vst v0  }
0x2f: {  	[spmem:s10] =	stream.linear.scatter [tilespmem:s22], [sflag:$0x7], $0x6400, $0x38;
	[tilespmem:$0x16840] =	vst v63  }
0x30: {  	_ =	swait.ge [sflag:s23], $0x6400  }
0x31: {  	[sflag:s23] =	ssyncset.done $0x0  }
0x32: {  	s9 =	rddreg [dreg:$0x7];
	[sflag:s23] =	ssyncadd.s32 $0xFFFF9C00  }
0x33: {  	[spmem:s9] =	stream.linear.scatter [tilespmem:s22], [sflag:$0x7], $0x6400, $0x38;
	[tilespmem:$0x16840] =	vst v63  }
0x34: {  	_ =	swait.ge [sflag:s23], $0x6400  }
0x35: {  	[sflag:s23] =	ssyncset.done $0x0  }
0x36: {  	[sflag:s23] =	ssyncadd.s32 $0xFFFF9C00  }
0x37: {  	[bflag:$0x0] =	sbarrier.arrive $0xFFFF  }
0x38: {  	_ =	swait.ge [sflag:s24], $0xC8  }
0x39: {  	[sflag:s24] =	ssyncset.done $0x0  }
0x3a: {  	[sflag:s24] =	ssyncadd.s32 $0xFFFFFF38  }
0x3b: {  	[tilespmem:s22], [sflag:$0x1] =	stream.indirect.gather [hbm4b:s4+s25], $0x80, s18, s25, $0xb8;
	[tilespmem:$0x16840] =	vst v63  }
0x3c: {  	_ =	swait.ge [sflag:s26], $0xC8  }
0x3d: {  	[sflag:s26] =	ssyncset.done $0x0  }
0x3e: {  	[sflag:s26] =	ssyncadd.s32 $0xFFFFFF38  }
0x3f: {  	[tilespmem:s28], [sflag:$0x2] =	stream.indirect.gather [hbm4b:s4+s25], $0x80, s19, s25, $0xb8;
	[tilespmem:$0x16840] =	vst v63  }
0x40: {  	_ =	swait.ge [sflag:s29], $0x6400  }
0x41: {  	[sflag:s29] =	ssyncset.done $0x0  }
0x42: {  	[sflag:s29] =	ssyncadd.s32 $0xFFFF9C00  }
0x43: {  	_ =	swait.ge [sflag:s30], $0xC8  }
0x44: {  	s11 =	sshrl.u32 s17, $0x3;
	[sflag:s30] =	ssyncset.done $0x0  }
0x45: {  	s8 =	sadd.s32 s5, s11;
	[sflag:s30] =	ssyncadd.s32 $0xFFFFFF38  }
0x46: {  	[tilespmem:s18], [sflag:$0x3] =	stream.linear.gather [hbm4b:s8+s3], $0xC8, $0x38;
	[tilespmem:$0x16840] =	vst v63  }
0x47: {  	_ = 	snop  }
0x48: {  	[spmem:s2] =	stream.indirect.scatter.add.f32 [tilespmem:s22], [sflag:$0x7], $0x80, s20, s25, $0xb8;
	[tilespmem:$0x16840] =	vst v63  }
0x49: {  	_ =	swait.ge [sflag:s23], $0x6400  }
0x4a: {  	[sflag:s23] =	ssyncset.done $0x0  }
0x4b: {  	s7 =	sadd.s32 s6, s11;
	[sflag:s23] =	ssyncadd.s32 $0xFFFF9C00  }
0x4c: {  	[tilespmem:s20], [sflag:$0x5] =	stream.linear.gather [hbm4b:s7+s3], $0xC8, $0x38;
	[tilespmem:$0x16840] =	vst v63  }
0x4d: {  	_ =	swait.ge [sflag:s24], $0xC8  }
0x4e: {  	[sflag:s24] =	ssyncset.done $0x0  }
0x4f: {  	[sflag:s24] =	ssyncadd.s32 $0xFFFFFF38  }
0x50: {  	[tilespmem:s22], [sflag:$0x1] =	stream.indirect.gather [hbm4b:s4+s25], $0x80, s18, s25, $0xb8;
	[tilespmem:$0x16840] =	vst v63  }
0x51: {  	_ =	swait.ge [sflag:s31], $0x6400  }
0x52: {  	[sflag:s31] =	ssyncset.done $0x0  }
0x53: {  	[sflag:s31] =	ssyncadd.s32 $0xFFFF9C00  }
0x54: {  	_ =	swait.ge [sflag:s1], $0xC8  }
0x55: {  	[sflag:s1] =	ssyncset.done $0x0  }
0x56: {  	s12 =	sadd.s32 $0x0, s16;
	[sflag:s1] =	ssyncadd.s32 $0xFFFFFF38  }
0x57: {  	[tilespmem:s19], [sflag:$0x4] =	stream.linear.gather [hbm4b:s12+s3], $0xC8, $0x38;
	[tilespmem:$0x16840] =	vst v63  }
0x58: {  	_ = 	snop  }
0x59: {  	[spmem:s2] =	stream.indirect.scatter.add.f32 [tilespmem:s28], [sflag:$0x7], $0x80, s21, s25, $0xb8;
	[tilespmem:$0x16840] =	vst v63  }
0x5a: {  	_ =	swait.ge [sflag:s23], $0x6400  }
0x5b: {  	s9 =	sadd.s32 $0x0, s15;
	[sflag:s23] =	ssyncset.done $0x0  }
0x5c: {  	s8 =	sadd.s32 $0x190, s17;
	s7 =	simm.s32 $0x32;
	[sflag:s23] =	ssyncadd.s32 $0xFFFF9C00  }
.LBB2_4:
0x5d: {  	[tilespmem:s21], [sflag:$0x6] =	stream.linear.gather [hbm4b:s9+s3], $0xC8, $0x38;
	[tilespmem:$0x16840] =	vst v63  }
0x5e: {  	s9 =	smov.u32 s7  }
0x5f: {  	p0 =	sne.s32 s7, $0x47E;
	s7 =	sadd.s32 $0x32, s7;
	_ =	swait.ge [sflag:s26], $0xC8  }
0x60: {  	[sflag:s26] =	ssyncset.done $0x0  }
0x61: {  	[sflag:s26] =	ssyncadd.s32 $0xFFFFFF38  }
0x62: {  	[tilespmem:s28], [sflag:$0x2] =	stream.indirect.gather [hbm4b:s4+s25], $0x80, s19, s25, $0xb8;
	[tilespmem:$0x16840] =	vst v63  }
0x63: {  	_ =	swait.ge [sflag:s29], $0x6400  }
0x64: {  	[sflag:s29] =	ssyncset.done $0x0  }
0x65: {  	[sflag:s29] =	ssyncadd.s32 $0xFFFF9C00  }
0x66: {  	_ =	swait.ge [sflag:s30], $0xC8  }
0x67: {  	s11 =	sshrl.u32 s8, $0x3;
	[sflag:s30] =	ssyncset.done $0x0  }
0x68: {  	s12 =	sadd.s32 s5, s11;
	[sflag:s30] =	ssyncadd.s32 $0xFFFFFF38  }
0x69: {  	[tilespmem:s18], [sflag:$0x3] =	stream.linear.gather [hbm4b:s12+s3], $0xC8, $0x38;
	[tilespmem:$0x16840] =	vst v63  }
0x6a: {  	_ = 	snop  }
0x6b: {  	[spmem:s2] =	stream.indirect.scatter.add.f32 [tilespmem:s22], [sflag:$0x7], $0x80, s20, s25, $0xb8;
	[tilespmem:$0x16840] =	vst v63  }
0x6c: {  	_ =	swait.ge [sflag:s23], $0x6400  }
0x6d: {  	[sflag:s23] =	ssyncset.done $0x0  }
0x6e: {  	s11 =	sadd.s32 s6, s11;
	[sflag:s23] =	ssyncadd.s32 $0xFFFF9C00  }
0x6f: {  	[tilespmem:s20], [sflag:$0x5] =	stream.linear.gather [hbm4b:s11+s3], $0xC8, $0x38;
	[tilespmem:$0x16840] =	vst v63  }
0x70: {  	_ =	swait.ge [sflag:s24], $0xC8  }
0x71: {  	[sflag:s24] =	ssyncset.done $0x0  }
0x72: {  	[sflag:s24] =	ssyncadd.s32 $0xFFFFFF38  }
0x73: {  	[tilespmem:s22], [sflag:$0x1] =	stream.indirect.gather [hbm4b:s4+s25], $0x80, s18, s25, $0xb8;
	[tilespmem:$0x16840] =	vst v63  }
0x74: {  	_ =	swait.ge [sflag:s31], $0x6400  }
0x75: {  	[sflag:s31] =	ssyncset.done $0x0  }
0x76: {  	[sflag:s31] =	ssyncadd.s32 $0xFFFF9C00  }
0x77: {  	_ =	swait.ge [sflag:s1], $0xC8  }
0x78: {  	[sflag:s1] =	ssyncset.done $0x0  }
0x79: {  	s11 =	sadd.s32 s9, s16;
	[sflag:s1] =	ssyncadd.s32 $0xFFFFFF38  }
0x7a: {  	[tilespmem:s19], [sflag:$0x4] =	stream.linear.gather [hbm4b:s11+s3], $0xC8, $0x38;
	[tilespmem:$0x16840] =	vst v63  }
.Ltmp1:
0x7b: {  	(pc) =	sbr.rel @p0 .LBB2_4-.Ltmp1, $4  }
0x7c: {  	[spmem:s2] =	stream.indirect.scatter.add.f32 [tilespmem:s28], [sflag:$0x7], $0x80, s21, s25, $0xb8;
	[tilespmem:$0x16840] =	vst v63  }
0x7d: {  	_ =	swait.ge [sflag:s23], $0x6400  }
0x7e: {  	[sflag:s23] =	ssyncset.done $0x0  }
0x7f: {  	s8 =	sadd.s32 $0x190, s8;
	s9 =	sadd.s32 s9, s15;
	[sflag:s23] =	ssyncadd.s32 $0xFFFF9C00  }
0x80: {  	[tilespmem:s21], [sflag:$0x6] =	stream.linear.gather [hbm4b:s9+s3], $0xC8, $0x38;
	[tilespmem:$0x16840] =	vst v63  }
0x81: {  	_ =	swait.ge [sflag:s26], $0xC8  }
0x82: {  	[sflag:s26] =	ssyncset.done $0x0  }
0x83: {  	[sflag:s26] =	ssyncadd.s32 $0xFFFFFF38  }
0x84: {  	[tilespmem:s28], [sflag:$0x2] =	stream.indirect.gather [hbm4b:s4+s25], $0x80, s19, s25, $0xb8;
	[tilespmem:$0x16840] =	vst v63  }
0x85: {  	_ =	swait.ge [sflag:s29], $0x6400  }
0x86: {  	[sflag:s29] =	ssyncset.done $0x0  }
0x87: {  	[sflag:s29] =	ssyncadd.s32 $0xFFFF9C00  }
0x88: {  	_ =	swait.ge [sflag:s30], $0xC8  }
0x89: {  	[sflag:s30] =	ssyncset.done $0x0  }
0x8a: {  	[sflag:s30] =	ssyncadd.s32 $0xFFFFFF38  }
0x8b: {  	[spmem:s2] =	stream.indirect.scatter.add.f32 [tilespmem:s22], [sflag:$0x7], $0x80, s20, s25, $0xb8;
	[tilespmem:$0x16840] =	vst v63  }
0x8c: {  	_ =	swait.ge [sflag:s23], $0x6400  }
0x8d: {  	[sflag:s23] =	ssyncset.done $0x0  }
0x8e: {  	[sflag:s23] =	ssyncadd.s32 $0xFFFF9C00  }
0x8f: {  	_ =	swait.ge [sflag:s31], $0x6400  }
0x90: {  	[sflag:s31] =	ssyncset.done $0x0  }
0x91: {  	[sflag:s31] =	ssyncadd.s32 $0xFFFF9C00  }
0x92: {  	_ =	swait.ge [sflag:s1], $0xC8  }
0x93: {  	[sflag:s1] =	ssyncset.done $0x0  }
0x94: {  	[sflag:s1] =	ssyncadd.s32 $0xFFFFFF38  }
0x95: {  	[spmem:s2] =	stream.indirect.scatter.add.f32 [tilespmem:s28], [sflag:$0x7], $0x80, s21, s25, $0xb8;
	[tilespmem:$0x16840] =	vst v63  }
0x96: {  	s7 =	stileid.u32;
	_ =	swait.ge [sflag:s23], $0x6400  }
0x97: {  	s8 =	sshrl.u32 s10, $0x3;
	s0 =	sadd.s32 $0x1, s0;
	[sflag:s23] =	ssyncset.done $0x0  }
0x98: {  	s7 =	sshll.u32 s7, $0x6;
	p0 =	sne.s32 s0, s14;
	[sflag:s23] =	ssyncadd.s32 $0xFFFF9C00  }
.Ltmp2:
0x99: {  	s7 =	sor.u32 $0x1C07, s7;
	[bflag:$0x0] =	sbarrier.arrive $0xFFFF;
	(pc) =	sbr.rel @p0 .LBB2_1-.Ltmp2, $4  }
0x9a: {  	[hbm:s13], [sflag:s7] =	dma.local [spmem:s8], $0x1400  }
0x9b: {  	_ =	swait.ge [sflag:s23], $0x1400  }
0x9c: {  	[sflag:s23] =	ssyncset.done $0x0  }
0x9d: {  	[sflag:s23] =	ssyncadd.s32 $0xFFFFEC00  }
0x9e: {  	_ =	sfence.sel $0x180000  }
0x9f: {  	[bflag:$0x0] =	sbarrier.arrive $0xFFFF  }
0xa0: {  	_ =	strace $0x9000004A  }
0xa1: {  	s0 =	stileid.u32;
	[bflag:$0x2] =	sbarrier.arrive $0xFFFF  }
0xa2: {  	p0 =	sne.s32 s0, $0x0;
	s0 =	rddreg [dreg:$0x2]  }
0xa3: {  	s0 =	sadd.s32 @!p0 $0x100000, s0  }
0xa4: {  	[sflag:s0] =	ssyncadd.tile.s32 @!p0 $0x1;
	_ =	shalt  }
.Lfunc_end2:
_tile_overlayer_lowered:
.L_overlay_start_2:
0xa5: {  	(tag) =	ssettag $0x2  }
0xa6: {  	s0 =	rddreg [dreg:$0x0];
	s2 =	stileid.u32  }
0xa7: {  	s1 =	rddreg [dreg:$0x1];
	p0 =	sne.s32 s2, $0x0  }
0xa8: {  	s3 =	rddreg [dreg:$0x2];
	[bflag:$0x3] =	sbarrier.arrive $0xFFFF;
	s2 =	simm.s32 @!p0 $0x1C07  }
0xa9: {  	[timem:s3], [sflag:s2] =	dma.local @!p0 [hbm:s0], s1  }
0xaa: {  	s0 =	simm.s32 @!p0 $0x7  }
0xab: {  	_ =	swait.ge @!p0 [sflag:s0], s1  }
0xac: {  	s1 =	ssub.s32 @!p0 $0x0, s1;
	[sflag:s0] =	ssyncset.done @!p0 $0x0  }
0xad: {  	[sflag:s0] =	ssyncadd.s32 @!p0 s1  }
0xae: {  	[bflag:$0x3] =	sbarrier.arrive $0xFFFF  }
0xaf: {  	_ =	shalt  }

// kernel: kernel.14.cloned.1.call-start
scs
__scs_entry_jumppad:
0x0: {  	(pc) =	sbr.rel $0x88, $3  }
0x1: {  	(tag) =	ssettag $0x0;
	lr =	simm.s32 $0x1  }
0x2: {  	[smem:$0x3F97] =	sst lr;
	_ =	strace $0xD0000000  }
0x3: {  	_ = 	snop  }
0x4: {  	_ = 	snop  }
0x5: {  	_ = 	snop  }
0x6: {  	_ = 	snop  }
0x7: {  	_ = 	snop  }
__scs_overlays_trampoline_lowered:
0x8: {  	[smem:$0x3FA6] =	sst s0  }
0x9: {  	[smem:$0x3FA7] =	sst s1  }
0xa: {  	[smem:$0x3FA8] =	sst s2  }
0xb: {  	[smem:$0x3FA9] =	sst s3  }
0xc: {  	[smem:$0x3FAA] =	sst s4  }
0xd: {  	[smem:$0x3FAB] =	sst s5  }
0xe: {  	[smem:$0x3FAC] =	sst s6  }
0xf: {  	[smem:$0x3FAD] =	sst s7  }
0x10: {  	[smem:$0x3FAE] =	sst s8  }
0x11: {  	[smem:$0x3FAF] =	sst s9;
	s0 =	simm.s32 @!p0 $0x0  }
0x12: {  	s1 =	sld [smem:$0x3F95];
	s0 =	simm.s32 @p0 $0x1  }
0x13: {  	[smem:$0x3FB0] =	sst s0;
	s0 =	simm.s32 @!p1 $0x0  }
0x14: {  	s2 =	sld [smem:$0x3F94];
	s0 =	simm.s32 @p1 $0x1  }
0x15: {  	[smem:$0x3FB1] =	sst s0;
	s0 =	simm.s32 @!p2 $0x0  }
0x16: {  	s3 =	sld [smem:$0x3FDB];
	s0 =	simm.s32 @p2 $0x1  }
0x17: {  	s4 =	simm.s32 $0x1BF5;
	[smem:$0x3FB3] =	sst s0  }
0x18: {  	s0 =	sld [smem:$0x3F96];
	_ =	swait.ge [sflag:s4], $0x0  }
0x19: {  	s7 =	sld [smem:$0x3F97]  }
0x1a: {  	s8 =	sadd.s32 $0xFFFFE003, lr  }
0x1b: {  	s9 =	sadd.s32 $0xFFFFFEF7, lr;
	s5 =	simm.s32 $0xFFFFFFFF;
	p2 =	slt.u32 s8, $0xFFFFF086  }
0x1c: {  	p1 =	slt.u32 s9, $0xF7A;
	s5 =	simm.s32 @!p2 $0x0  }
0x1d: {  	s5 =	simm.s32 @p1 $0x1;
	p0 =	seq.s32 s7, s2  }
0x1e: {  	s7 =	smul.u32 @!p0 $0xF7A, s2;
	p2 =	seq.s32 @!p0 s5, $0x0  }
0x1f: {  	s9 =	smul.u32 $0xF7A, s1;
	s8 =	simm.s32 @!p0 $0x1BF5;
	p2 =	por !p2, p0  }
0x20: {  	[sflag:s8] =	ssyncset.s32 @!p0 $0xFFFFF086;
	s6 =	sadd.s32 @!p0 s3, s7;
	s7 =	simm.s32 @!p0 $0x108  }
0x21: {  	s3 =	sadd.s32 s3, s9;
	s6 =	sadd.s32 @!p0 $0x88, s6;
	s7 =	simm.s32 @p2 $0x1082  }
0x22: {  	[simem:s7], [sflag:s8] =	dma.local @!p0 [hbm:s6], $0xF7A  }
0x23: {  	s9 =	sor.u32 $0xD0000000, s2;
	s6 =	simm.s32 $0x108;
	_ =	swait.ge @!p0 [sflag:s8], $0x0  }
0x24: {  	s3 =	sadd.s32 $0x88, s3;
	s6 =	simm.s32 @!p1 $0x1082;
	[sflag:s4] =	ssyncset.s32 $0xFFFFF086  }
0x25: {  	[simem:s6], [sflag:s4] =	dma.local [hbm:s3], $0xF7A  }
0x26: {  	[smem:$0x3F97] =	sst s1;
	(tag) =	ssettag s2;
	_ =	strace s9  }
0x27: {  	s1 =	sld [smem:$0x3FA7]  }
0x28: {  	s2 =	sld [smem:$0x3FA8]  }
0x29: {  	s4 =	sld [smem:$0x3FAA]  }
0x2a: {  	p0 =	seq.s32 s5, $0x0;
	s5 =	sld [smem:$0x3FAB]  }
0x2b: {  	s6 =	sld [smem:$0x3FAC]  }
0x2c: {  	s7 =	sld [smem:$0x3FAD]  }
0x2d: {  	s3 =	simm.s32 $0x108;
	s8 =	sld [smem:$0x3FAE]  }
0x2e: {  	s3 =	simm.s32 @!p0 $0x1082;
	s9 =	sld [smem:$0x3FAF]  }
0x2f: {  	lr =	sadd.s32 s0, s3;
	s0 =	sld [smem:$0x3FA6]  }
0x30: {  	s3 =	sld [smem:$0x3FA9]  }
0x31: {  	[smem:$0x3FB2] =	sst s10  }
0x32: {  	s10 =	sld [smem:$0x3FB0];
	_ =	sdelay $0x3  }
0x33: {  	p0 =	seq.s32 s10, $0x1;
	s10 =	sld [smem:$0x3FB2];
	_ =	sdelay $0x3  }
0x34: {  	[smem:$0x3FB2] =	sst s10  }
0x35: {  	s10 =	sld [smem:$0x3FB1];
	_ =	sdelay $0x3  }
0x36: {  	p1 =	seq.s32 s10, $0x1;
	s10 =	sld [smem:$0x3FB2];
	_ =	sdelay $0x3  }
0x37: {  	[smem:$0x3FB2] =	sst s10  }
0x38: {  	s10 =	sld [smem:$0x3FB3]  }
0x39: {  	_ = 	snop;
	(pc) =	sbr.ind lr, $3  }
0x3a: {  	_ = 	snop  }
0x3b: {  	_ = 	snop  }
0x3c: {  	p2 =	seq.s32 s10, $0x1;
	s10 =	sld [smem:$0x3FB2]  }
0x3d: {  	_ =	shalt  }
0x3e: {  	_ =	shalt  }
0x3f: {  	_ =	shalt  }
0x40: {  	_ =	shalt  }
0x41: {  	_ =	shalt  }
0x42: {  	_ =	shalt  }
0x43: {  	_ =	shalt  }
0x44: {  	_ =	shalt  }
0x45: {  	_ =	shalt  }
0x46: {  	_ =	shalt  }
0x47: {  	_ =	shalt  }
0x48: {  	_ =	shalt  }
0x49: {  	_ =	shalt  }
0x4a: {  	_ =	shalt  }
0x4b: {  	_ =	shalt  }
0x4c: {  	_ =	shalt  }
0x4d: {  	_ =	shalt  }
0x4e: {  	_ =	shalt  }
0x4f: {  	_ =	shalt  }
0x50: {  	_ =	shalt  }
0x51: {  	_ =	shalt  }
0x52: {  	_ =	shalt  }
0x53: {  	_ =	shalt  }
0x54: {  	_ =	shalt  }
0x55: {  	_ =	shalt  }
0x56: {  	_ =	shalt  }
0x57: {  	_ =	shalt  }
0x58: {  	_ =	shalt  }
0x59: {  	_ =	shalt  }
0x5a: {  	_ =	shalt  }
0x5b: {  	_ =	shalt  }
0x5c: {  	_ =	shalt  }
0x5d: {  	_ =	shalt  }
0x5e: {  	_ =	shalt  }
0x5f: {  	_ =	shalt  }
0x60: {  	_ =	shalt  }
0x61: {  	_ =	shalt  }
0x62: {  	_ =	shalt  }
0x63: {  	_ =	shalt  }
0x64: {  	_ =	shalt  }
0x65: {  	_ =	shalt  }
0x66: {  	_ =	shalt  }
0x67: {  	_ =	shalt  }
0x68: {  	_ =	shalt  }
0x69: {  	_ =	shalt  }
0x6a: {  	_ =	shalt  }
0x6b: {  	_ =	shalt  }
0x6c: {  	_ =	shalt  }
0x6d: {  	_ =	shalt  }
0x6e: {  	_ =	shalt  }
0x6f: {  	_ =	shalt  }
0x70: {  	_ =	shalt  }
0x71: {  	_ =	shalt  }
0x72: {  	_ =	shalt  }
0x73: {  	_ =	shalt  }
0x74: {  	_ =	shalt  }
0x75: {  	_ =	shalt  }
0x76: {  	_ =	shalt  }
0x77: {  	_ =	shalt  }
0x78: {  	_ =	shalt  }
0x79: {  	_ =	shalt  }
0x7a: {  	_ =	shalt  }
0x7b: {  	_ =	shalt  }
0x7c: {  	_ =	shalt  }
0x7d: {  	_ =	shalt  }
0x7e: {  	_ =	shalt  }
0x7f: {  	_ =	shalt  }
0x80: {  	_ =	shalt  }
0x81: {  	_ =	shalt  }
0x82: {  	_ =	shalt  }
0x83: {  	_ =	shalt  }
0x84: {  	_ =	shalt  }
0x85: {  	_ =	shalt  }
0x86: {  	_ =	shalt  }
0x87: {  	_ =	shalt  }
.Lfunc_end0:
.L_simem_size_0:
called_computation.2_lowered:
.L_overlay_start_0:
0x88: {  	s2 =	sld [smem:$0x3FD9]  }
0x89: {  	s3 =	sld [smem:$0x3FFE];
	_ =	sdelay $0x1  }
0x8a: {  	s1 =	srdreg.scid  }
0x8b: {  	s0 =	sand.u32 $0x1, s1  }
0x8c: {  	s16 =	sshll.u32 s0, $0xA;
	s2 =	sadd.s32 s3, s2  }
0x8d: {  	s2 =	sadd.s32 s2, s16  }
0x8e: {  	[smem:$0x3FBE] =	sst s2  }
0x8f: {  	_ = 	snop  }
0x90: {  	(tm) =	ssettm $0x1  }
0x91: {  	s17 =	sld [smem:$0x3FFB];
	_ =	sdelay $0x3  }
0x92: {  	_ =	strace s17  }
0x93: {  	s2 =	sld [smem:$0x3FFC];
	_ =	sdelay $0x3  }
0x94: {  	_ =	strace s2  }
0x95: {  	s2 =	sld [smem:$0x3FFD];
	_ =	sdelay $0x3  }
0x96: {  	_ =	strace s2  }
0x97: {  	_ =	strace $0x8FFFFFFF  }
0x98: {  	s18 =	sld [smem:$0x3FDB];
	_ =	sdelay $0x1  }
0x99: {  	s19 =	simm.s32 $_scs_section_size  }
0x9a: {  	s4 =	simm.s32 $_size__tile_overlayer_lowered;
	s5 =	simm.s32 $_tile_overlayer_lowered  }
0x9b: {  	s22 =	simm.s32 $0x1BFF;
	s21 =	sshll.u32 s5, $0x1;
	s2 =	sadd.s32 s19, s18  }
0x9c: {  	s6 =	simm.s32 $0x0;
	s20 =	sshll.u32 s4, $0x1;
	s4 =	sadd.s32 s21, s2  }
0x9d: {  	[timem:s6], [sflag:s22] =	dma.local [hbm:s4], s20  }
0x9e: {  	_ =	swait.ge [sflag:s22], s20  }
0x9f: {  	s3 =	ssub.s32 $0x0, s20;
	[sflag:s22] =	ssyncset.done $0x0  }
0xa0: {  	[sflag:s22] =	ssyncadd.s32 s3;
	_ =	sdelay $0x1  }
0xa1: {  	s23 =	simm.s32 $0x1B8B  }
0xa2: {  	_ =	swait.ge [sflag:s23], $0x1  }
0xa3: {  	[sflag:s23] =	ssyncset.done $0x0  }
0xa4: {  	s25 =	simm.s32 $0x1B8E;
	s24 =	sld [smem:$0x3FFE];
	[sflag:s23] =	ssyncadd.s32 $0xFFFFFFFF  }
0xa5: {  	s26 =	simm.s32 $execute0_lowered;
	[smem:$0x3FD2] =	sst s25  }
0xa6: {  	s4 =	sshll.u32 s26, $0x1;
	_ =	strace $0x8000004C;
	[dreg:$0x1] =	wrdreg $0xFFFFFFFF  }
0xa7: {  	s28 =	simm.s32 $_size_execute0_lowered;
	s2 =	sadd.s32 s2, s4;
	[dreg:$0x0] =	wrdreg $0x0  }
0xa8: {  	s4 =	sshll.u32 s28, $0x1;
	[dreg:$0x2] =	wrdreg s2  }
0xa9: {  	[dreg:$0x3] =	wrdreg s4  }
0xaa: {  	[dreg:$0x4] =	wrdreg $0xC0  }
0xab: {  	_ =	task [dreg:s6], $0x5FFFF  }
0xac: {  	[dreg:$0x1] =	wrdreg $0xFFFFFFFF  }
0xad: {  	[dreg:$0x0] =	wrdreg $0x60  }
0xae: {  	[dreg:$0x2] =	wrdreg s24  }
0xaf: {  	[dreg:$0x3] =	wrdreg $0x0  }
0xb0: {  	[dreg:$0x4] =	wrdreg $0x9  }
0xb1: {  	_ =	task.clear_ibuf [dreg:s6], $0x5FFFF;
	_ =	strace $0x9000004C  }
0xb2: {  	s29 =	simm.s32 $0x9;
	_ =	strace $0x8000004E  }
0xb3: {  	_ =	swait.ge [sflag:s29], $0x1  }
0xb4: {  	[sflag:s29] =	ssyncadd.s32 $0xFFFFFFFF  }
0xb5: {  	_ =	strace $0x9000004E  }
0xb6: {  	_ =	sfence  }
0xb7: {  	s30 =	sld [smem:$0x0];
	_ =	sdelay $0x2  }
0xb8: {  	s31 =	sshll.u32 s1, $0xD;
	s1 =	sshrl.u32 s1, $0x2  }
0xb9: {  	s3 =	sand.u32 $0x4000, s31;
	s1 =	sadd.s32 s1, s30  }
0xba: {  	s0 =	sor.u32 s3, s0;
	s1 =	sshll.u32 s1, $0x11  }
0xbb: {  	s0 =	sor.u32 s1, s0  }
0xbc: {  	s0 =	sadd.s32 $0x8F2B, s0  }
0xbd: {  	[sflag:s0] =	ssyncadd.remote.s32 $0x1  }
0xbe: {  	_ =	sfence.sel $0xFFFF  }
0xbf: {  	[dreg:$0x0] =	wrdreg $0xFFFFFFFF;
	(pc) =	sbr.abs _section_cstart, $3  }
0xc0: {  	[dreg:$0x1] =	wrdreg $0xFFFFFFFF  }
0xc1: {  	_ =	task.clear_ibuf [dreg:s6], $0x2FFFF;
	_ =	strace $0x9FFFFFFF  }
0xc2: {  	(tm) =	ssettm $0x7FFFFFFF  }
0xc3: {  	_ =	shalt  }
tec
execute0_lowered:
.L_overlay_start_1:
0x0: {  	(tag) =	ssettag $0x1  }
0x1: {  	s0 =	rddreg [dreg:$0x0]  }
0x2: {  	s2 =	rddreg [dreg:$0x1];
	s12 =	stileid.u32  }
0x3: {  	s1 =	srdreg.scid;
	s3 =	simm.s32 $0x0;
	s18 =	simm.s32 $0x16440  }
0x4: {  	s19 =	simm.s32 $0x16540;
	s28 =	simm.s32 $0x10040;
	s29 =	simm.s32 $0x1  }
0x5: {  	s30 =	simm.s32 $0x5;
	s4 =	smul.u32 $0x140, s12;
	s1 =	sand.u32 $0x1, s1  }
0x6: {  	s31 =	simm.s32 $0x2;
	[smem:$0x7FF] =	sst s3;
	s5 =	smul.u32 $0x9C400, s1  }
0x7: {  	_ =	strace $0x8000004D;
	s6 =	sshll.u32 s1, $0x4;
	s20 =	ssub.s32 $0x2, s1  }
0x8: {  	s1 =	smul.u32 $0x27100, s1;
	s4 =	smin.u32 s4, $0x1248;
	s6 =	sor.u32 s12, s6  }
0x9: {  	s10 =	sshrl.u32 s20, $0x1;
	s12 =	smul.u32 $0x2710, s12;
	s7 =	sshll.u32 s4, $0x7  }
0xa: {  	s4 =	sadd.s32 $0x16A00, s0;
	s9 =	smul.u32 $0x2710, s6;
	s6 =	sadd.s32 $0x2800, s0  }
0xb: {  	s8 =	sadd.s32 s5, s7;
	s5 =	sadd.s32 $0xCC00, s0;
	s1 =	sadd.s32 s12, s1  }
0xc: {  	s8 =	sshrl.u32 s8, $0x3;
	s11 =	sadd.s32 $0xC8, s9;
	s9 =	sshrl.u32 s9, $0x3  }
0xd: {  	s25 =	sadd.s32 $0x258, s1;
	s17 =	sadd.s32 $0x190, s1;
	s1 =	simm.s32 $0x6  }
0xe: {  	s0 =	sadd.s32 s8, s0;
	s11 =	sshrl.u32 s11, $0x3;
	s8 =	ssub.s32 s20, s10  }
0xf: {  	s21 =	sadd.s32 s5, s9;
	s9 =	sadd.s32 s6, s9;
	s10 =	sadd.s32 s7, s2  }
0x10: {  	s26 =	sshrl.u32 s25, $0x3;
	s20 =	simm.s32 $0x16640;
	[dreg:$0x3] =	wrdreg s21  }
0x11: {  	s25 =	simm.s32 $0xC8;
	s22 =	sadd.s32 s5, s11;
	[dreg:$0x5] =	wrdreg s9  }
0x12: {  	s23 =	sadd.s32 s6, s11;
	s24 =	sadd.s32 $0x3C00, s10;
	s13 =	sadd.s32 $0x3DC00, s0  }
0x13: {  	s14 =	smax.u32 s8, $0x1;
	s15 =	sadd.s32 s26, s6;
	[dreg:$0x4] =	wrdreg s22  }
0x14: {  	s16 =	sadd.s32 s26, s5;
	s21 =	simm.s32 $0x16740;
	[dreg:$0x6] =	wrdreg s23  }
0x15: {  	s26 =	simm.s32 $0x4;
	s0 =	simm.s32 $0x0;
	[dreg:$0x7] =	wrdreg s24  }
0x16: {  	v0 =	vimm.f32 $0.0e+00;
	s22 =	simm.s32 $0x9C40;
	s23 =	simm.s32 $0x7;
	s24 =	simm.s32 $0x3  }
.LBB2_1:
0x17: {  	s7 =	rddreg [dreg:$0x3]  }
0x18: {  	[tilespmem:s18], [sflag:$0x3] =	stream.linear.gather [hbm4b:s7+s3], $0xC8, $0x38;
	[tilespmem:$0x16840] =	vst v63  }
0x19: {  	s9 =	rddreg [dreg:$0x4]  }
0x1a: {  	[tilespmem:s19], [sflag:$0x4] =	stream.linear.gather [hbm4b:s9+s3], $0xC8, $0x38;
	[tilespmem:$0x16840] =	vst v63  }
0x1b: {  	s11 =	rddreg [dreg:$0x5]  }
0x1c: {  	[tilespmem:s20], [sflag:$0x5] =	stream.linear.gather [hbm4b:s11+s3], $0xC8, $0x38;
	[tilespmem:$0x16840] =	vst v63  }
0x1d: {  	s12 =	rddreg [dreg:$0x6];
	s8 =	simm.s32 $0x200;
	s7 =	simm.s32 $0x0  }
0x1e: {  	[tilespmem:s21], [sflag:$0x6] =	stream.linear.gather [hbm4b:s12+s3], $0xC8, $0x38;
	[tilespmem:$0x16840] =	vst v63  }
.LBB2_2:
0x1f: {  	p0 =	sne.s32 s8, $0x18E00;
	[tilespmem:s7+$0x9CB0] =	vst v0  }
0x20: {  	[tilespmem:s7+$0x9C40] =	vst v0  }
0x21: {  	[tilespmem:s7+$0x9C50] =	vst v0  }
.Ltmp0:
0x22: {  	[tilespmem:s7+$0x9C60] =	vst v0;
	(pc) =	sbr.rel @p0 .LBB2_2-.Ltmp0, $4  }
0x23: {  	[tilespmem:s7+$0x9C70] =	vst v0  }
0x24: {  	[tilespmem:s7+$0x9C80] =	vst v0  }
0x25: {  	[tilespmem:s7+$0x9C90] =	vst v0  }
0x26: {  	[tilespmem:s7+$0x9CA0] =	vst v0;
	s7 =	sshra.s32 s8, $0x2;
	s8 =	sadd.s32 $0x200, s8  }
0x27: {  	[tilespmem:s7+$0x9CB0] =	vst v0  }
0x28: {  	[tilespmem:s7+$0x9C40] =	vst v0  }
0x29: {  	[tilespmem:s7+$0x9C50] =	vst v0  }
0x2a: {  	[tilespmem:s7+$0x9C60] =	vst v0  }
0x2b: {  	[tilespmem:s7+$0x9C70] =	vst v0  }
0x2c: {  	[tilespmem:s7+$0x9C80] =	vst v0  }
0x2d: {  	[tilespmem:s7+$0x9C90] =	vst v0  }
0x2e: {  	[tilespmem:s7+$0x9CA0] =	vst v0  }
0x2f: {  	[spmem:s10] =	stream.linear.scatter [tilespmem:s22], [sflag:$0x7], $0x6400, $0x38;
	[tilespmem:$0x16840] =	vst v63  }
0x30: {  	_ =	swait.ge [sflag:s23], $0x6400  }
0x31: {  	[sflag:s23] =	ssyncset.done $0x0  }
0x32: {  	s9 =	rddreg [dreg:$0x7];
	[sflag:s23] =	ssyncadd.s32 $0xFFFF9C00  }
0x33: {  	[spmem:s9] =	stream.linear.scatter [tilespmem:s22], [sflag:$0x7], $0x6400, $0x38;
	[tilespmem:$0x16840] =	vst v63  }
0x34: {  	_ =	swait.ge [sflag:s23], $0x6400  }
0x35: {  	[sflag:s23] =	ssyncset.done $0x0  }
0x36: {  	[sflag:s23] =	ssyncadd.s32 $0xFFFF9C00  }
0x37: {  	[bflag:$0x0] =	sbarrier.arrive $0xFFFF  }
0x38: {  	_ =	swait.ge [sflag:s24], $0xC8  }
0x39: {  	[sflag:s24] =	ssyncset.done $0x0  }
0x3a: {  	[sflag:s24] =	ssyncadd.s32 $0xFFFFFF38  }
0x3b: {  	[tilespmem:s22], [sflag:$0x1] =	stream.indirect.gather [hbm4b:s4+s25], $0x80, s18, s25, $0xb8;
	[tilespmem:$0x16840] =	vst v63  }
0x3c: {  	_ =	swait.ge [sflag:s26], $0xC8  }
0x3d: {  	[sflag:s26] =	ssyncset.done $0x0  }
0x3e: {  	[sflag:s26] =	ssyncadd.s32 $0xFFFFFF38  }
0x3f: {  	[tilespmem:s28], [sflag:$0x2] =	stream.indirect.gather [hbm4b:s4+s25], $0x80, s19, s25, $0xb8;
	[tilespmem:$0x16840] =	vst v63  }
0x40: {  	_ =	swait.ge [sflag:s29], $0x6400  }
0x41: {  	[sflag:s29] =	ssyncset.done $0x0  }
0x42: {  	[sflag:s29] =	ssyncadd.s32 $0xFFFF9C00  }
0x43: {  	_ =	swait.ge [sflag:s30], $0xC8  }
0x44: {  	s11 =	sshrl.u32 s17, $0x3;
	[sflag:s30] =	ssyncset.done $0x0  }
0x45: {  	s8 =	sadd.s32 s5, s11;
	[sflag:s30] =	ssyncadd.s32 $0xFFFFFF38  }
0x46: {  	[tilespmem:s18], [sflag:$0x3] =	stream.linear.gather [hbm4b:s8+s3], $0xC8, $0x38;
	[tilespmem:$0x16840] =	vst v63  }
0x47: {  	_ = 	snop  }
0x48: {  	[spmem:s2] =	stream.indirect.scatter.add.f32 [tilespmem:s22], [sflag:$0x7], $0x80, s20, s25, $0xb8;
	[tilespmem:$0x16840] =	vst v63  }
0x49: {  	_ =	swait.ge [sflag:s23], $0x6400  }
0x4a: {  	[sflag:s23] =	ssyncset.done $0x0  }
0x4b: {  	s7 =	sadd.s32 s6, s11;
	[sflag:s23] =	ssyncadd.s32 $0xFFFF9C00  }
0x4c: {  	[tilespmem:s20], [sflag:$0x5] =	stream.linear.gather [hbm4b:s7+s3], $0xC8, $0x38;
	[tilespmem:$0x16840] =	vst v63  }
0x4d: {  	_ =	swait.ge [sflag:s24], $0xC8  }
0x4e: {  	[sflag:s24] =	ssyncset.done $0x0  }
0x4f: {  	[sflag:s24] =	ssyncadd.s32 $0xFFFFFF38  }
0x50: {  	[tilespmem:s22], [sflag:$0x1] =	stream.indirect.gather [hbm4b:s4+s25], $0x80, s18, s25, $0xb8;
	[tilespmem:$0x16840] =	vst v63  }
0x51: {  	_ =	swait.ge [sflag:s31], $0x6400  }
0x52: {  	[sflag:s31] =	ssyncset.done $0x0  }
0x53: {  	[sflag:s31] =	ssyncadd.s32 $0xFFFF9C00  }
0x54: {  	_ =	swait.ge [sflag:s1], $0xC8  }
0x55: {  	[sflag:s1] =	ssyncset.done $0x0  }
0x56: {  	s12 =	sadd.s32 $0x0, s16;
	[sflag:s1] =	ssyncadd.s32 $0xFFFFFF38  }
0x57: {  	[tilespmem:s19], [sflag:$0x4] =	stream.linear.gather [hbm4b:s12+s3], $0xC8, $0x38;
	[tilespmem:$0x16840] =	vst v63  }
0x58: {  	_ = 	snop  }
0x59: {  	[spmem:s2] =	stream.indirect.scatter.add.f32 [tilespmem:s28], [sflag:$0x7], $0x80, s21, s25, $0xb8;
	[tilespmem:$0x16840] =	vst v63  }
0x5a: {  	_ =	swait.ge [sflag:s23], $0x6400  }
0x5b: {  	s9 =	sadd.s32 $0x0, s15;
	[sflag:s23] =	ssyncset.done $0x0  }
0x5c: {  	s8 =	sadd.s32 $0x190, s17;
	s7 =	simm.s32 $0x32;
	[sflag:s23] =	ssyncadd.s32 $0xFFFF9C00  }
.LBB2_4:
0x5d: {  	[tilespmem:s21], [sflag:$0x6] =	stream.linear.gather [hbm4b:s9+s3], $0xC8, $0x38;
	[tilespmem:$0x16840] =	vst v63  }
0x5e: {  	s9 =	smov.u32 s7  }
0x5f: {  	p0 =	sne.s32 s7, $0x47E;
	s7 =	sadd.s32 $0x32, s7;
	_ =	swait.ge [sflag:s26], $0xC8  }
0x60: {  	[sflag:s26] =	ssyncset.done $0x0  }
0x61: {  	[sflag:s26] =	ssyncadd.s32 $0xFFFFFF38  }
0x62: {  	[tilespmem:s28], [sflag:$0x2] =	stream.indirect.gather [hbm4b:s4+s25], $0x80, s19, s25, $0xb8;
	[tilespmem:$0x16840] =	vst v63  }
0x63: {  	_ =	swait.ge [sflag:s29], $0x6400  }
0x64: {  	[sflag:s29] =	ssyncset.done $0x0  }
0x65: {  	[sflag:s29] =	ssyncadd.s32 $0xFFFF9C00  }
0x66: {  	_ =	swait.ge [sflag:s30], $0xC8  }
0x67: {  	s11 =	sshrl.u32 s8, $0x3;
	[sflag:s30] =	ssyncset.done $0x0  }
0x68: {  	s12 =	sadd.s32 s5, s11;
	[sflag:s30] =	ssyncadd.s32 $0xFFFFFF38  }
0x69: {  	[tilespmem:s18], [sflag:$0x3] =	stream.linear.gather [hbm4b:s12+s3], $0xC8, $0x38;
	[tilespmem:$0x16840] =	vst v63  }
0x6a: {  	_ = 	snop  }
0x6b: {  	[spmem:s2] =	stream.indirect.scatter.add.f32 [tilespmem:s22], [sflag:$0x7], $0x80, s20, s25, $0xb8;
	[tilespmem:$0x16840] =	vst v63  }
0x6c: {  	_ =	swait.ge [sflag:s23], $0x6400  }
0x6d: {  	[sflag:s23] =	ssyncset.done $0x0  }
0x6e: {  	s11 =	sadd.s32 s6, s11;
	[sflag:s23] =	ssyncadd.s32 $0xFFFF9C00  }
0x6f: {  	[tilespmem:s20], [sflag:$0x5] =	stream.linear.gather [hbm4b:s11+s3], $0xC8, $0x38;
	[tilespmem:$0x16840] =	vst v63  }
0x70: {  	_ =	swait.ge [sflag:s24], $0xC8  }
0x71: {  	[sflag:s24] =	ssyncset.done $0x0  }
0x72: {  	[sflag:s24] =	ssyncadd.s32 $0xFFFFFF38  }
0x73: {  	[tilespmem:s22], [sflag:$0x1] =	stream.indirect.gather [hbm4b:s4+s25], $0x80, s18, s25, $0xb8;
	[tilespmem:$0x16840] =	vst v63  }
0x74: {  	_ =	swait.ge [sflag:s31], $0x6400  }
0x75: {  	[sflag:s31] =	ssyncset.done $0x0  }
0x76: {  	[sflag:s31] =	ssyncadd.s32 $0xFFFF9C00  }
0x77: {  	_ =	swait.ge [sflag:s1], $0xC8  }
0x78: {  	[sflag:s1] =	ssyncset.done $0x0  }
0x79: {  	s11 =	sadd.s32 s9, s16;
	[sflag:s1] =	ssyncadd.s32 $0xFFFFFF38  }
0x7a: {  	[tilespmem:s19], [sflag:$0x4] =	stream.linear.gather [hbm4b:s11+s3], $0xC8, $0x38;
	[tilespmem:$0x16840] =	vst v63  }
.Ltmp1:
0x7b: {  	(pc) =	sbr.rel @p0 .LBB2_4-.Ltmp1, $4  }
0x7c: {  	[spmem:s2] =	stream.indirect.scatter.add.f32 [tilespmem:s28], [sflag:$0x7], $0x80, s21, s25, $0xb8;
	[tilespmem:$0x16840] =	vst v63  }
0x7d: {  	_ =	swait.ge [sflag:s23], $0x6400  }
0x7e: {  	[sflag:s23] =	ssyncset.done $0x0  }
0x7f: {  	s8 =	sadd.s32 $0x190, s8;
	s9 =	sadd.s32 s9, s15;
	[sflag:s23] =	ssyncadd.s32 $0xFFFF9C00  }
0x80: {  	[tilespmem:s21], [sflag:$0x6] =	stream.linear.gather [hbm4b:s9+s3], $0xC8, $0x38;
	[tilespmem:$0x16840] =	vst v63  }
0x81: {  	_ =	swait.ge [sflag:s26], $0xC8  }
0x82: {  	[sflag:s26] =	ssyncset.done $0x0  }
0x83: {  	[sflag:s26] =	ssyncadd.s32 $0xFFFFFF38  }
0x84: {  	[tilespmem:s28], [sflag:$0x2] =	stream.indirect.gather [hbm4b:s4+s25], $0x80, s19, s25, $0xb8;
	[tilespmem:$0x16840] =	vst v63  }
0x85: {  	_ =	swait.ge [sflag:s29], $0x6400  }
0x86: {  	[sflag:s29] =	ssyncset.done $0x0  }
0x87: {  	[sflag:s29] =	ssyncadd.s32 $0xFFFF9C00  }
0x88: {  	_ =	swait.ge [sflag:s30], $0xC8  }
0x89: {  	[sflag:s30] =	ssyncset.done $0x0  }
0x8a: {  	[sflag:s30] =	ssyncadd.s32 $0xFFFFFF38  }
0x8b: {  	[spmem:s2] =	stream.indirect.scatter.add.f32 [tilespmem:s22], [sflag:$0x7], $0x80, s20, s25, $0xb8;
	[tilespmem:$0x16840] =	vst v63  }
0x8c: {  	_ =	swait.ge [sflag:s23], $0x6400  }
0x8d: {  	[sflag:s23] =	ssyncset.done $0x0  }
0x8e: {  	[sflag:s23] =	ssyncadd.s32 $0xFFFF9C00  }
0x8f: {  	_ =	swait.ge [sflag:s31], $0x6400  }
0x90: {  	[sflag:s31] =	ssyncset.done $0x0  }
0x91: {  	[sflag:s31] =	ssyncadd.s32 $0xFFFF9C00  }
0x92: {  	_ =	swait.ge [sflag:s1], $0xC8  }
0x93: {  	[sflag:s1] =	ssyncset.done $0x0  }
0x94: {  	[sflag:s1] =	ssyncadd.s32 $0xFFFFFF38  }
0x95: {  	[spmem:s2] =	stream.indirect.scatter.add.f32 [tilespmem:s28], [sflag:$0x7], $0x80, s21, s25, $0xb8;
	[tilespmem:$0x16840] =	vst v63  }
0x96: {  	s7 =	stileid.u32;
	_ =	swait.ge [sflag:s23], $0x6400  }
0x97: {  	s8 =	sshrl.u32 s10, $0x3;
	s0 =	sadd.s32 $0x1, s0;
	[sflag:s23] =	ssyncset.done $0x0  }
0x98: {  	s7 =	sshll.u32 s7, $0x6;
	p0 =	sne.s32 s0, s14;
	[sflag:s23] =	ssyncadd.s32 $0xFFFF9C00  }
.Ltmp2:
0x99: {  	s7 =	sor.u32 $0x1C07, s7;
	[bflag:$0x0] =	sbarrier.arrive $0xFFFF;
	(pc) =	sbr.rel @p0 .LBB2_1-.Ltmp2, $4  }
0x9a: {  	[hbm:s13], [sflag:s7] =	dma.local [spmem:s8], $0x1400  }
0x9b: {  	_ =	swait.ge [sflag:s23], $0x1400  }
0x9c: {  	[sflag:s23] =	ssyncset.done $0x0  }
0x9d: {  	[sflag:s23] =	ssyncadd.s32 $0xFFFFEC00  }
0x9e: {  	_ =	sfence.sel $0x180000  }
0x9f: {  	[bflag:$0x0] =	sbarrier.arrive $0xFFFF  }
0xa0: {  	_ =	strace $0x9000004D  }
0xa1: {  	s0 =	stileid.u32;
	[bflag:$0x2] =	sbarrier.arrive $0xFFFF  }
0xa2: {  	p0 =	sne.s32 s0, $0x0;
	s0 =	rddreg [dreg:$0x2]  }
0xa3: {  	s0 =	sadd.s32 @!p0 $0x100000, s0  }
0xa4: {  	[sflag:s0] =	ssyncadd.tile.s32 @!p0 $0x1;
	_ =	shalt  }
.Lfunc_end2:
_tile_overlayer_lowered:
.L_overlay_start_2:
0xa5: {  	(tag) =	ssettag $0x2  }
0xa6: {  	s0 =	rddreg [dreg:$0x0];
	s2 =	stileid.u32  }
0xa7: {  	s1 =	rddreg [dreg:$0x1];
	p0 =	sne.s32 s2, $0x0  }
0xa8: {  	s3 =	rddreg [dreg:$0x2];
	[bflag:$0x3] =	sbarrier.arrive $0xFFFF;
	s2 =	simm.s32 @!p0 $0x1C07  }
0xa9: {  	[timem:s3], [sflag:s2] =	dma.local @!p0 [hbm:s0], s1  }
0xaa: {  	s0 =	simm.s32 @!p0 $0x7  }
0xab: {  	_ =	swait.ge @!p0 [sflag:s0], s1  }
0xac: {  	s1 =	ssub.s32 @!p0 $0x0, s1;
	[sflag:s0] =	ssyncset.done @!p0 $0x0  }
0xad: {  	[sflag:s0] =	ssyncadd.s32 @!p0 s1  }
0xae: {  	[bflag:$0x3] =	sbarrier.arrive $0xFFFF  }
0xaf: {  	_ =	shalt  }

// kernel: kernel.8.cloned.1.call-start
scs
__scs_entry_jumppad:
0x0: {  	(pc) =	sbr.rel $0x88, $3  }
0x1: {  	(tag) =	ssettag $0x0;
	lr =	simm.s32 $0x1  }
0x2: {  	[smem:$0x3F97] =	sst lr;
	_ =	strace $0xD0000000  }
0x3: {  	_ = 	snop  }
0x4: {  	_ = 	snop  }
0x5: {  	_ = 	snop  }
0x6: {  	_ = 	snop  }
0x7: {  	_ = 	snop  }
__scs_overlays_trampoline_lowered:
0x8: {  	[smem:$0x3FA6] =	sst s0  }
0x9: {  	[smem:$0x3FA7] =	sst s1  }
0xa: {  	[smem:$0x3FA8] =	sst s2  }
0xb: {  	[smem:$0x3FA9] =	sst s3  }
0xc: {  	[smem:$0x3FAA] =	sst s4  }
0xd: {  	[smem:$0x3FAB] =	sst s5  }
0xe: {  	[smem:$0x3FAC] =	sst s6  }
0xf: {  	[smem:$0x3FAD] =	sst s7  }
0x10: {  	[smem:$0x3FAE] =	sst s8  }
0x11: {  	[smem:$0x3FAF] =	sst s9;
	s0 =	simm.s32 @!p0 $0x0  }
0x12: {  	s1 =	sld [smem:$0x3F95];
	s0 =	simm.s32 @p0 $0x1  }
0x13: {  	[smem:$0x3FB0] =	sst s0;
	s0 =	simm.s32 @!p1 $0x0  }
0x14: {  	s2 =	sld [smem:$0x3F94];
	s0 =	simm.s32 @p1 $0x1  }
0x15: {  	[smem:$0x3FB1] =	sst s0;
	s0 =	simm.s32 @!p2 $0x0  }
0x16: {  	s3 =	sld [smem:$0x3FDB];
	s0 =	simm.s32 @p2 $0x1  }
0x17: {  	s4 =	simm.s32 $0x1BF5;
	[smem:$0x3FB3] =	sst s0  }
0x18: {  	s0 =	sld [smem:$0x3F96];
	_ =	swait.ge [sflag:s4], $0x0  }
0x19: {  	s7 =	sld [smem:$0x3F97]  }
0x1a: {  	s8 =	sadd.s32 $0xFFFFE003, lr  }
0x1b: {  	s9 =	sadd.s32 $0xFFFFFEF7, lr;
	s5 =	simm.s32 $0xFFFFFFFF;
	p2 =	slt.u32 s8, $0xFFFFF086  }
0x1c: {  	p1 =	slt.u32 s9, $0xF7A;
	s5 =	simm.s32 @!p2 $0x0  }
0x1d: {  	s5 =	simm.s32 @p1 $0x1;
	p0 =	seq.s32 s7, s2  }
0x1e: {  	s7 =	smul.u32 @!p0 $0xF7A, s2;
	p2 =	seq.s32 @!p0 s5, $0x0  }
0x1f: {  	s9 =	smul.u32 $0xF7A, s1;
	s8 =	simm.s32 @!p0 $0x1BF5;
	p2 =	por !p2, p0  }
0x20: {  	[sflag:s8] =	ssyncset.s32 @!p0 $0xFFFFF086;
	s6 =	sadd.s32 @!p0 s3, s7;
	s7 =	simm.s32 @!p0 $0x108  }
0x21: {  	s3 =	sadd.s32 s3, s9;
	s6 =	sadd.s32 @!p0 $0x88, s6;
	s7 =	simm.s32 @p2 $0x1082  }
0x22: {  	[simem:s7], [sflag:s8] =	dma.local @!p0 [hbm:s6], $0xF7A  }
0x23: {  	s9 =	sor.u32 $0xD0000000, s2;
	s6 =	simm.s32 $0x108;
	_ =	swait.ge @!p0 [sflag:s8], $0x0  }
0x24: {  	s3 =	sadd.s32 $0x88, s3;
	s6 =	simm.s32 @!p1 $0x1082;
	[sflag:s4] =	ssyncset.s32 $0xFFFFF086  }
0x25: {  	[simem:s6], [sflag:s4] =	dma.local [hbm:s3], $0xF7A  }
0x26: {  	[smem:$0x3F97] =	sst s1;
	(tag) =	ssettag s2;
	_ =	strace s9  }
0x27: {  	s1 =	sld [smem:$0x3FA7]  }
0x28: {  	s2 =	sld [smem:$0x3FA8]  }
0x29: {  	s4 =	sld [smem:$0x3FAA]  }
0x2a: {  	p0 =	seq.s32 s5, $0x0;
	s5 =	sld [smem:$0x3FAB]  }
0x2b: {  	s6 =	sld [smem:$0x3FAC]  }
0x2c: {  	s7 =	sld [smem:$0x3FAD]  }
0x2d: {  	s3 =	simm.s32 $0x108;
	s8 =	sld [smem:$0x3FAE]  }
0x2e: {  	s3 =	simm.s32 @!p0 $0x1082;
	s9 =	sld [smem:$0x3FAF]  }
0x2f: {  	lr =	sadd.s32 s0, s3;
	s0 =	sld [smem:$0x3FA6]  }
0x30: {  	s3 =	sld [smem:$0x3FA9]  }
0x31: {  	[smem:$0x3FB2] =	sst s10  }
0x32: {  	s10 =	sld [smem:$0x3FB0];
	_ =	sdelay $0x3  }
0x33: {  	p0 =	seq.s32 s10, $0x1;
	s10 =	sld [smem:$0x3FB2];
	_ =	sdelay $0x3  }
0x34: {  	[smem:$0x3FB2] =	sst s10  }
0x35: {  	s10 =	sld [smem:$0x3FB1];
	_ =	sdelay $0x3  }
0x36: {  	p1 =	seq.s32 s10, $0x1;
	s10 =	sld [smem:$0x3FB2];
	_ =	sdelay $0x3  }
0x37: {  	[smem:$0x3FB2] =	sst s10  }
0x38: {  	s10 =	sld [smem:$0x3FB3]  }
0x39: {  	_ = 	snop;
	(pc) =	sbr.ind lr, $3  }
0x3a: {  	_ = 	snop  }
0x3b: {  	_ = 	snop  }
0x3c: {  	p2 =	seq.s32 s10, $0x1;
	s10 =	sld [smem:$0x3FB2]  }
0x3d: {  	_ =	shalt  }
0x3e: {  	_ =	shalt  }
0x3f: {  	_ =	shalt  }
0x40: {  	_ =	shalt  }
0x41: {  	_ =	shalt  }
0x42: {  	_ =	shalt  }
0x43: {  	_ =	shalt  }
0x44: {  	_ =	shalt  }
0x45: {  	_ =	shalt  }
0x46: {  	_ =	shalt  }
0x47: {  	_ =	shalt  }
0x48: {  	_ =	shalt  }
0x49: {  	_ =	shalt  }
0x4a: {  	_ =	shalt  }
0x4b: {  	_ =	shalt  }
0x4c: {  	_ =	shalt  }
0x4d: {  	_ =	shalt  }
0x4e: {  	_ =	shalt  }
0x4f: {  	_ =	shalt  }
0x50: {  	_ =	shalt  }
0x51: {  	_ =	shalt  }
0x52: {  	_ =	shalt  }
0x53: {  	_ =	shalt  }
0x54: {  	_ =	shalt  }
0x55: {  	_ =	shalt  }
0x56: {  	_ =	shalt  }
0x57: {  	_ =	shalt  }
0x58: {  	_ =	shalt  }
0x59: {  	_ =	shalt  }
0x5a: {  	_ =	shalt  }
0x5b: {  	_ =	shalt  }
0x5c: {  	_ =	shalt  }
0x5d: {  	_ =	shalt  }
0x5e: {  	_ =	shalt  }
0x5f: {  	_ =	shalt  }
0x60: {  	_ =	shalt  }
0x61: {  	_ =	shalt  }
0x62: {  	_ =	shalt  }
0x63: {  	_ =	shalt  }
0x64: {  	_ =	shalt  }
0x65: {  	_ =	shalt  }
0x66: {  	_ =	shalt  }
0x67: {  	_ =	shalt  }
0x68: {  	_ =	shalt  }
0x69: {  	_ =	shalt  }
0x6a: {  	_ =	shalt  }
0x6b: {  	_ =	shalt  }
0x6c: {  	_ =	shalt  }
0x6d: {  	_ =	shalt  }
0x6e: {  	_ =	shalt  }
0x6f: {  	_ =	shalt  }
0x70: {  	_ =	shalt  }
0x71: {  	_ =	shalt  }
0x72: {  	_ =	shalt  }
0x73: {  	_ =	shalt  }
0x74: {  	_ =	shalt  }
0x75: {  	_ =	shalt  }
0x76: {  	_ =	shalt  }
0x77: {  	_ =	shalt  }
0x78: {  	_ =	shalt  }
0x79: {  	_ =	shalt  }
0x7a: {  	_ =	shalt  }
0x7b: {  	_ =	shalt  }
0x7c: {  	_ =	shalt  }
0x7d: {  	_ =	shalt  }
0x7e: {  	_ =	shalt  }
0x7f: {  	_ =	shalt  }
0x80: {  	_ =	shalt  }
0x81: {  	_ =	shalt  }
0x82: {  	_ =	shalt  }
0x83: {  	_ =	shalt  }
0x84: {  	_ =	shalt  }
0x85: {  	_ =	shalt  }
0x86: {  	_ =	shalt  }
0x87: {  	_ =	shalt  }
.Lfunc_end0:
.L_simem_size_0:
called_computation_lowered:
.L_overlay_start_0:
0x88: {  	s2 =	sld [smem:$0x3FD9]  }
0x89: {  	s3 =	sld [smem:$0x3FFE];
	_ =	sdelay $0x1  }
0x8a: {  	s1 =	srdreg.scid  }
0x8b: {  	s0 =	sand.u32 $0x1, s1  }
0x8c: {  	s16 =	sshll.u32 s0, $0xA;
	s2 =	sadd.s32 s3, s2  }
0x8d: {  	s2 =	sadd.s32 s2, s16  }
0x8e: {  	[smem:$0x3FBE] =	sst s2  }
0x8f: {  	_ = 	snop  }
0x90: {  	(tm) =	ssettm $0x1  }
0x91: {  	s17 =	sld [smem:$0x3FFB];
	_ =	sdelay $0x3  }
0x92: {  	_ =	strace s17  }
0x93: {  	s2 =	sld [smem:$0x3FFC];
	_ =	sdelay $0x3  }
0x94: {  	_ =	strace s2  }
0x95: {  	s2 =	sld [smem:$0x3FFD];
	_ =	sdelay $0x3  }
0x96: {  	_ =	strace s2  }
0x97: {  	_ =	strace $0x8FFFFFFF  }
0x98: {  	s18 =	sld [smem:$0x3FDB];
	_ =	sdelay $0x1  }
0x99: {  	s19 =	simm.s32 $_scs_section_size  }
0x9a: {  	s4 =	simm.s32 $_size__tile_overlayer_lowered;
	s5 =	simm.s32 $_tile_overlayer_lowered  }
0x9b: {  	s22 =	simm.s32 $0x1BFF;
	s21 =	sshll.u32 s5, $0x1;
	s2 =	sadd.s32 s19, s18  }
0x9c: {  	s6 =	simm.s32 $0x0;
	s20 =	sshll.u32 s4, $0x1;
	s4 =	sadd.s32 s21, s2  }
0x9d: {  	[timem:s6], [sflag:s22] =	dma.local [hbm:s4], s20  }
0x9e: {  	_ =	swait.ge [sflag:s22], s20  }
0x9f: {  	s3 =	ssub.s32 $0x0, s20;
	[sflag:s22] =	ssyncset.done $0x0  }
0xa0: {  	[sflag:s22] =	ssyncadd.s32 s3;
	_ =	sdelay $0x1  }
0xa1: {  	s23 =	simm.s32 $0x1B8B  }
0xa2: {  	_ =	swait.ge [sflag:s23], $0x1  }
0xa3: {  	[sflag:s23] =	ssyncset.done $0x0  }
0xa4: {  	s25 =	simm.s32 $0x1B8E;
	s24 =	sld [smem:$0x3FFE];
	[sflag:s23] =	ssyncadd.s32 $0xFFFFFFFF  }
0xa5: {  	s26 =	simm.s32 $execute0_lowered;
	[smem:$0x3FD2] =	sst s25  }
0xa6: {  	s4 =	sshll.u32 s26, $0x1;
	_ =	strace $0x80000046;
	[dreg:$0x1] =	wrdreg $0xFFFFFFFF  }
0xa7: {  	s28 =	simm.s32 $_size_execute0_lowered;
	s2 =	sadd.s32 s2, s4;
	[dreg:$0x0] =	wrdreg $0x0  }
0xa8: {  	s4 =	sshll.u32 s28, $0x1;
	[dreg:$0x2] =	wrdreg s2  }
0xa9: {  	[dreg:$0x3] =	wrdreg s4  }
0xaa: {  	[dreg:$0x4] =	wrdreg $0xC0  }
0xab: {  	_ =	task [dreg:s6], $0x5FFFF  }
0xac: {  	[dreg:$0x1] =	wrdreg $0xFFFFFFFF  }
0xad: {  	[dreg:$0x0] =	wrdreg $0x60  }
0xae: {  	[dreg:$0x2] =	wrdreg s24  }
0xaf: {  	[dreg:$0x3] =	wrdreg $0x0  }
0xb0: {  	[dreg:$0x4] =	wrdreg $0x9  }
0xb1: {  	_ =	task.clear_ibuf [dreg:s6], $0x5FFFF;
	_ =	strace $0x90000046  }
0xb2: {  	s29 =	simm.s32 $0x9;
	_ =	strace $0x80000048  }
0xb3: {  	_ =	swait.ge [sflag:s29], $0x1  }
0xb4: {  	[sflag:s29] =	ssyncadd.s32 $0xFFFFFFFF  }
0xb5: {  	_ =	strace $0x90000048  }
0xb6: {  	_ =	sfence  }
0xb7: {  	s30 =	sld [smem:$0x0];
	_ =	sdelay $0x2  }
0xb8: {  	s31 =	sshll.u32 s1, $0xD;
	s1 =	sshrl.u32 s1, $0x2  }
0xb9: {  	s3 =	sand.u32 $0x4000, s31;
	s1 =	sadd.s32 s1, s30  }
0xba: {  	s0 =	sor.u32 s3, s0;
	s1 =	sshll.u32 s1, $0x11  }
0xbb: {  	s0 =	sor.u32 s1, s0  }
0xbc: {  	s0 =	sadd.s32 $0x8F2B, s0  }
0xbd: {  	[sflag:s0] =	ssyncadd.remote.s32 $0x1  }
0xbe: {  	_ =	sfence.sel $0xFFFF  }
0xbf: {  	[dreg:$0x0] =	wrdreg $0xFFFFFFFF;
	(pc) =	sbr.abs _section_cstart, $3  }
0xc0: {  	[dreg:$0x1] =	wrdreg $0xFFFFFFFF  }
0xc1: {  	_ =	task.clear_ibuf [dreg:s6], $0x2FFFF;
	_ =	strace $0x9FFFFFFF  }
0xc2: {  	(tm) =	ssettm $0x7FFFFFFF  }
0xc3: {  	_ =	shalt  }
tec
execute0_lowered:
.L_overlay_start_1:
0x0: {  	(tag) =	ssettag $0x1  }
0x1: {  	s0 =	srdreg.scid;
	s6 =	rddreg [dreg:$0x0]  }
0x2: {  	s2 =	rddreg [dreg:$0x1];
	s4 =	sand.u32 $0x1, s0  }
0x3: {  	s0 =	stileid.u32;
	s5 =	smul.u32 $0x27100, s4  }
0x4: {  	s1 =	rddreg [dreg:$0x2];
	s3 =	simm.s32 $0x0;
	s7 =	smul.u32 $0x2710, s0  }
0x5: {  	s10 =	simm.s32 $0x240;
	s11 =	simm.s32 $0xC8;
	s8 =	smul.u32 $0x140, s0  }
0x6: {  	s12 =	simm.s32 $0x140;
	[smem:$0x7FF] =	sst s3;
	s9 =	smul.u32 $0x1400, s4  }
0x7: {  	s13 =	simm.s32 $0x4C0;
	s14 =	simm.s32 $0x0;
	_ =	strace $0x80000047  }
0x8: {  	s4 =	ssub.s32 $0x2, s4;
	s5 =	sadd.s32 s7, s5;
	s28 =	sadd.s32 s8, s9  }
0x9: {  	s31 =	sshrl.u32 s4, $0x1;
	s5 =	sshrl.u32 s5, $0x3;
	s7 =	sshrl.u32 s28, $0x3  }
0xa: {  	s9 =	simm.s32 $0x1;
	s29 =	sadd.s32 s5, s6;
	s30 =	sadd.s32 s7, s6  }
0xb: {  	s6 =	ssub.s32 s4, s31;
	s4 =	sadd.s32 s8, s2;
	s8 =	simm.s32 $0x340  }
0xc: {  	v0 =	vimm.f32 $0.0e+00;
	v1 =	vimm.f32 $1.000000000e+00;
	s5 =	sadd.s32 $0xC600, s30;
	s6 =	smax.u32 s6, $0x1;
	s7 =	sadd.s32 $0x2800, s29  }
.LBB2_1:
0xd: {  	[tilespmem:$0x340] =	vst v0  }
0xe: {  	[tilespmem:$0x350] =	vst v0  }
0xf: {  	[tilespmem:$0x360] =	vst v0  }
0x10: {  	[tilespmem:$0x370] =	vst v0  }
0x11: {  	[tilespmem:$0x380] =	vst v0  }
0x12: {  	[tilespmem:$0x390] =	vst v0  }
0x13: {  	[tilespmem:$0x3A0] =	vst v0  }
0x14: {  	[tilespmem:$0x3B0] =	vst v0  }
0x15: {  	[tilespmem:$0x3C0] =	vst v0  }
0x16: {  	[tilespmem:$0x3D0] =	vst v0  }
0x17: {  	[tilespmem:$0x3E0] =	vst v0  }
0x18: {  	[tilespmem:$0x3F0] =	vst v0  }
0x19: {  	[tilespmem:$0x400] =	vst v0  }
0x1a: {  	[tilespmem:$0x410] =	vst v0  }
0x1b: {  	[tilespmem:$0x420] =	vst v0  }
0x1c: {  	[tilespmem:$0x430] =	vst v0  }
0x1d: {  	[tilespmem:$0x440] =	vst v0  }
0x1e: {  	[tilespmem:$0x450] =	vst v0  }
0x1f: {  	[tilespmem:$0x460] =	vst v0  }
0x20: {  	[tilespmem:$0x470] =	vst v0  }
0x21: {  	[tilespmem:$0x140] =	vst v1  }
0x22: {  	[tilespmem:$0x150] =	vst v1  }
0x23: {  	[tilespmem:$0x160] =	vst v1  }
0x24: {  	[tilespmem:$0x170] =	vst v1  }
0x25: {  	[tilespmem:$0x180] =	vst v1  }
0x26: {  	[tilespmem:$0x190] =	vst v1  }
0x27: {  	[tilespmem:$0x1A0] =	vst v1  }
0x28: {  	[tilespmem:$0x1B0] =	vst v1  }
0x29: {  	[tilespmem:$0x1C0] =	vst v1  }
0x2a: {  	[tilespmem:$0x1D0] =	vst v1  }
0x2b: {  	[tilespmem:$0x1E0] =	vst v1  }
0x2c: {  	[tilespmem:$0x1F0] =	vst v1  }
0x2d: {  	[spmem:s4] =	stream.linear.scatter [tilespmem:s8], [sflag:$0x1], $0x140, $0x38;
	[tilespmem:$0x640] =	vst v63  }
0x2e: {  	_ =	swait.ge [sflag:s9], $0x140  }
0x2f: {  	[sflag:s9] =	ssyncset.done $0x0  }
0x30: {  	[sflag:s9] =	ssyncadd.s32 $0xFFFFFEC0  }
0x31: {  	s15 =	sadd.s32 $0x0, s7;
	[bflag:$0x0] =	sbarrier.arrive $0xFFFF  }
0x32: {  	[tilespmem:s10], [sflag:$0x1] =	stream.linear.gather [hbm4b:s15+s3], $0xC8, $0x38;
	[tilespmem:$0x640] =	vst v63  }
0x33: {  	_ =	swait.ge [sflag:s9], $0xC8  }
0x34: {  	[sflag:s9] =	ssyncset.done $0x0  }
0x35: {  	[sflag:s9] =	ssyncadd.s32 $0xFFFFFF38  }
0x36: {  	[spmem:s2] =	stream.indirect.scatter.add.f32 [tilespmem:s12], [sflag:$0x1], $0x1, s10, s11, $0xb8;
	[tilespmem:$0x640] =	vst v63  }
0x37: {  	_ =	swait.ge [sflag:s9], $0xC8  }
0x38: {  	s16 =	simm.s32 $0x32;
	s15 =	simm.s32 $0x19;
	[sflag:s9] =	ssyncset.done $0x0  }
.LBB2_2:
0x39: {  	s17 =	sadd.s32 s15, s7  }
0x3a: {  	[sflag:s9] =	ssyncadd.s32 $0xFFFFFF38;
	s15 =	smov.u32 s16;
	s18 =	sadd.s32 $0x19, s16  }
0x3b: {  	[tilespmem:s10], [sflag:$0x1] =	stream.linear.gather [hbm4b:s17+s3], $0xC8, $0x38;
	[tilespmem:$0x640] =	vst v63  }
0x3c: {  	p0 =	sne.s32 s16, $0x4C9;
	_ =	swait.ge [sflag:s9], $0xC8  }
.Ltmp0:
0x3d: {  	[sflag:s9] =	ssyncset.done $0x0;
	(pc) =	sbr.rel @p0 .LBB2_2-.Ltmp0, $4  }
0x3e: {  	[sflag:s9] =	ssyncadd.s32 $0xFFFFFF38  }
0x3f: {  	[spmem:s2] =	stream.indirect.scatter.add.f32 [tilespmem:s12], [sflag:$0x1], $0x1, s10, s11, $0xb8;
	[tilespmem:$0x640] =	vst v63  }
0x40: {  	_ =	swait.ge [sflag:s9], $0xC8  }
0x41: {  	s16 =	smov.u32 s18;
	[sflag:s9] =	ssyncset.done $0x0  }
0x42: {  	s15 =	sadd.s32 s15, s7;
	[sflag:s9] =	ssyncadd.s32 $0xFFFFFF38  }
0x43: {  	[tilespmem:s10], [sflag:$0x1] =	stream.linear.gather [hbm4b:s15+s3], $0xC8, $0x38;
	[tilespmem:$0x640] =	vst v63  }
0x44: {  	_ =	swait.ge [sflag:s9], $0xC8  }
0x45: {  	[sflag:s9] =	ssyncset.done $0x0  }
0x46: {  	[sflag:s9] =	ssyncadd.s32 $0xFFFFFF38  }
0x47: {  	[spmem:s2] =	stream.indirect.scatter.add.f32 [tilespmem:s12], [sflag:$0x1], $0x1, s10, s11, $0xb8;
	[tilespmem:$0x640] =	vst v63  }
0x48: {  	_ =	swait.ge [sflag:s9], $0xC8  }
0x49: {  	[sflag:s9] =	ssyncset.done $0x0  }
0x4a: {  	[sflag:s9] =	ssyncadd.s32 $0xFFFFFF38  }
0x4b: {  	[bflag:$0x0] =	sbarrier.arrive $0xFFFF  }
0x4c: {  	[tilespmem:s8], [sflag:$0x1] =	stream.linear.gather [spmem:s4], $0x140, $0x38;
	[tilespmem:$0x640] =	vst v63  }
0x4d: {  	_ =	swait.ge [sflag:s9], $0x140  }
0x4e: {  	[sflag:s9] =	ssyncset.done $0x0  }
0x4f: {  	s16 =	simm.s32 $0x0;
	[sflag:s9] =	ssyncadd.s32 $0xFFFFFEC0  }
0x50: {  	v2 =	vld [tilespmem:s16+$0x340];
	_ =	sdelay $0x4  }
0x51: {  	s15 =	simm.s32 $0x10;
	v2 =	vadd.f32 $1.000000000e+00, v2  }
0x52: {  	v3 =	vld [tilespmem:s15+$0x340]  }
0x53: {  	v4 =	vshra.s32 v2, $0x1;
	v5 =	vmul.f32 $5.000000000e-01, v2  }
0x54: {  	v2 =	vsub.s32 $0x5F3759DF, v4  }
0x55: {  	v4 =	vmul.f32 v2, v5  }
0x56: {  	s17 =	simm.s32 $0x20  }
0x57: {  	v6 =	vld [tilespmem:s17+$0x340];
	v3 =	vadd.f32 $1.000000000e+00, v3;
	v4 =	vmul.f32 v2, v4;
	_ =	sdelay $0x1  }
0x58: {  	v7 =	vshra.s32 v3, $0x1;
	v9 =	vmul.f32 $5.000000000e-01, v3;
	v3 =	vsub.f32 $1.500000000e+00, v4  }
0x59: {  	v4 =	vsub.s32 $0x5F3759DF, v7  }
0x5a: {  	v7 =	vmul.f32 v4, v9;
	v3 =	vmul.f32 v2, v3  }
0x5b: {  	s18 =	simm.s32 $0x30;
	v2 =	vadd.f32 $1.000000000e+00, v6  }
0x5c: {  	v6 =	vld [tilespmem:s18+$0x340];
	v7 =	vmul.f32 v4, v7;
	v8 =	vmul.f32 v3, v5  }
0x5d: {  	v10 =	vshra.s32 v2, $0x1;
	v2 =	vmul.f32 $5.000000000e-01, v2  }
0x5e: {  	v7 =	vsub.f32 $1.500000000e+00, v7;
	v10 =	vsub.s32 $0x5F3759DF, v10;
	v8 =	vmul.f32 v8, v3  }
0x5f: {  	v11 =	vmul.f32 v10, v2  }
0x60: {  	v4 =	vmul.f32 v4, v7;
	v7 =	vsub.f32 $1.500000000e+00, v8  }
0x61: {  	v6 =	vadd.f32 $1.000000000e+00, v6;
	v11 =	vmul.f32 v10, v11  }
0x62: {  	s19 =	simm.s32 $0x40;
	v12 =	vmul.f32 v4, v9;
	v7 =	vmul.f32 v7, v3  }
0x63: {  	v8 =	vld [tilespmem:s19+$0x340];
	v13 =	vshra.s32 v6, $0x1;
	v3 =	vmul.f32 $5.000000000e-01, v6;
	v6 =	vsub.f32 $1.500000000e+00, v11  }
0x64: {  	v14 =	vsub.s32 $0x5F3759DF, v13;
	v11 =	vmul.f32 v12, v4;
	v5 =	vmul.f32 v7, v5  }
0x65: {  	v12 =	vmul.f32 v14, v3;
	v6 =	vmul.f32 v10, v6  }
0x66: {  	v10 =	vsub.f32 $1.500000000e+00, v11;
	v5 =	vmul.f32 v5, v7  }
0x67: {  	v11 =	vmul.f32 v14, v12;
	v12 =	vmul.f32 v6, v2  }
0x68: {  	s20 =	simm.s32 $0x50;
	v8 =	vadd.f32 $1.000000000e+00, v8;
	v4 =	vmul.f32 v10, v4  }
0x69: {  	v15 =	vsub.f32 $1.500000000e+00, v5;
	v16 =	vsub.f32 $1.500000000e+00, v11;
	v11 =	vmul.f32 v12, v6;
	v12 =	vld [tilespmem:s20+$0x340]  }
0x6a: {  	v13 =	vshra.s32 v8, $0x1;
	v5 =	vmul.f32 $5.000000000e-01, v8  }
0x6b: {  	v8 =	vsub.s32 $0x5F3759DF, v13;
	v10 =	vmul.f32 v4, v9;
	v7 =	vmul.f32 v15, v7  }
0x6c: {  	s21 =	simm.s32 $0x180;
	v13 =	vmul.f32 v8, v5;
	v9 =	vmul.f32 v14, v16  }
.LBB2_4:
0x6d: {  	s22 =	sshra.s32 s21, $0x2  }
0x6e: {  	v14 =	vadd.f32 $1.000000000e+00, v12;
	v11 =	vsub.f32 $1.500000000e+00, v11;
	v10 =	vmul.f32 v10, v4;
	[tilespmem:s16+$0x4C0] =	vst v7;
	s16 =	smov.u32 s15;
	s15 =	smov.u32 s17;
	p0 =	sne.s32 s21, $0x4C0  }
.Ltmp1:
0x6f: {  	s17 =	smov.u32 s18;
	s18 =	smov.u32 s19;
	v12 =	vld [tilespmem:s22+$0x340];
	v7 =	vmul.f32 v8, v13;
	v13 =	vmul.f32 v9, v3;
	(pc) =	sbr.rel @p0 .LBB2_4-.Ltmp1, $4  }
0x70: {  	s21 =	sadd.s32 $0x40, s21;
	s19 =	smov.u32 s20;
	v15 =	vshra.s32 v14, $0x1;
	v16 =	vmul.f32 v11, v6;
	v17 =	vsub.f32 $1.500000000e+00, v10;
	v6 =	vmovc v9  }
0x71: {  	s20 =	smov.u32 s22;
	v14 =	vmul.f32 $5.000000000e-01, v14;
	v9 =	vsub.f32 $1.500000000e+00, v7;
	v11 =	vmul.f32 v13, v6  }
0x72: {  	v15 =	vsub.s32 $0x5F3759DF, v15;
	v10 =	vmul.f32 v16, v2;
	v7 =	vmul.f32 v17, v4;
	v4 =	vmovc v16;
	v2 =	vmovc v3  }
0x73: {  	v13 =	vmul.f32 v15, v14;
	v3 =	vmovc v5;
	v5 =	vmovc v14;
	v9 =	vmul.f32 v8, v9;
	v8 =	vmov v15  }
0x74: {  	v12 =	vadd.f32 $1.000000000e+00, v12;
	_ =	sdelay $0x1  }
0x75: {  	v14 =	vshra.s32 v12, $0x1;
	v12 =	vmul.f32 $5.000000000e-01, v12  }
0x76: {  	v14 =	vsub.s32 $0x5F3759DF, v14  }
0x77: {  	v15 =	vmul.f32 v14, v12  }
0x78: {  	v13 =	vmul.f32 v8, v13  }
0x79: {  	v15 =	vmul.f32 v14, v15  }
0x7a: {  	v13 =	vsub.f32 $1.500000000e+00, v13  }
0x7b: {  	v15 =	vsub.f32 $1.500000000e+00, v15  }
0x7c: {  	v53 =	vmul.f32 v8, v13  }
0x7d: {  	v54 =	vmul.f32 v9, v3;
	v14 =	vmul.f32 v14, v15  }
0x7e: {  	v55 =	vmul.f32 v53, v5  }
0x7f: {  	v13 =	vmul.f32 v54, v9;
	v16 =	vmul.f32 v14, v12  }
0x80: {  	v11 =	vsub.f32 $1.500000000e+00, v11;
	v15 =	vmul.f32 v55, v53  }
0x81: {  	v13 =	vsub.f32 $1.500000000e+00, v13;
	v16 =	vmul.f32 v16, v14  }
0x82: {  	v6 =	vmul.f32 v11, v6;
	v56 =	vsub.f32 $1.500000000e+00, v15  }
0x83: {  	v10 =	vmul.f32 v10, v4;
	v57 =	vmul.f32 v13, v9;
	v58 =	vsub.f32 $1.500000000e+00, v16  }
0x84: {  	v2 =	vmul.f32 v6, v2;
	v8 =	vmul.f32 v56, v53  }
0x85: {  	v3 =	vmul.f32 v57, v3;
	v59 =	vmul.f32 v58, v14  }
0x86: {  	v2 =	vmul.f32 v2, v6;
	v60 =	vmul.f32 v8, v5  }
0x87: {  	v10 =	vsub.f32 $1.500000000e+00, v10;
	v3 =	vmul.f32 v3, v57;
	v12 =	vmul.f32 v59, v12  }
0x88: {  	v2 =	vsub.f32 $1.500000000e+00, v2;
	v5 =	vmul.f32 v60, v8  }
0x89: {  	v61 =	vmul.f32 v10, v4;
	v3 =	vsub.f32 $1.500000000e+00, v3;
	v62 =	vmul.f32 v12, v59  }
0x8a: {  	[tilespmem:s16+$0x4C0] =	vst v7;
	v2 =	vmul.f32 v2, v6;
	v5 =	vsub.f32 $1.500000000e+00, v5  }
0x8b: {  	[tilespmem:s15+$0x4C0] =	vst v61;
	v3 =	vmul.f32 v3, v57;
	v63 =	vsub.f32 $1.500000000e+00, v62  }
0x8c: {  	[tilespmem:s17+$0x4C0] =	vst v2;
	v2 =	vmul.f32 v5, v8  }
0x8d: {  	s14 =	sadd.s32 $0x1, s14;
	[tilespmem:s18+$0x4C0] =	vst v3;
	v3 =	vmul.f32 v63, v59  }
0x8e: {  	p0 =	sne.s32 s14, s6;
	[tilespmem:s19+$0x4C0] =	vst v2  }
.Ltmp2:
0x8f: {  	[tilespmem:s20+$0x4C0] =	vst v3;
	(pc) =	sbr.rel @p0 .LBB2_1-.Ltmp2, $4  }
0x90: {  	[hbm4b:s5+s3] =	stream.linear.scatter [tilespmem:s13], [sflag:$0x1], $0x140, $0x38;
	[tilespmem:$0x640] =	vst v63  }
0x91: {  	_ =	swait.ge [sflag:s9], $0x140  }
0x92: {  	[sflag:s9] =	ssyncset.done $0x0  }
0x93: {  	[sflag:s9] =	ssyncadd.s32 $0xFFFFFEC0  }
0x94: {  	_ =	sfence.sel $0x180000  }
0x95: {  	[bflag:$0x0] =	sbarrier.arrive $0xFFFF  }
0x96: {  	p0 =	sne.s32 s0, $0x0;
	_ =	strace $0x90000047  }
0x97: {  	s0 =	sadd.s32 @!p0 $0x100000, s1;
	[bflag:$0x2] =	sbarrier.arrive $0xFFFF  }
0x98: {  	[sflag:s0] =	ssyncadd.tile.s32 @!p0 $0x1;
	_ =	shalt  }
.Lfunc_end2:
_tile_overlayer_lowered:
.L_overlay_start_2:
0x99: {  	(tag) =	ssettag $0x2  }
0x9a: {  	s0 =	rddreg [dreg:$0x0];
	s2 =	stileid.u32  }
0x9b: {  	s1 =	rddreg [dreg:$0x1];
	p0 =	sne.s32 s2, $0x0  }
0x9c: {  	s3 =	rddreg [dreg:$0x2];
	[bflag:$0x3] =	sbarrier.arrive $0xFFFF;
	s2 =	simm.s32 @!p0 $0x1C01  }
0x9d: {  	[timem:s3], [sflag:s2] =	dma.local @!p0 [hbm:s0], s1  }
0x9e: {  	s0 =	simm.s32 @!p0 $0x1  }
0x9f: {  	_ =	swait.ge @!p0 [sflag:s0], s1  }
0xa0: {  	s1 =	ssub.s32 @!p0 $0x0, s1;
	[sflag:s0] =	ssyncset.done @!p0 $0x0  }
0xa1: {  	[sflag:s0] =	ssyncadd.s32 @!p0 s1  }
0xa2: {  	[bflag:$0x3] =	sbarrier.arrive $0xFFFF  }
0xa3: {  	_ =	shalt  }

</sc_bundles>
